<compile_context>
chip_gen: v7x
topology: tpu7x:2x2x1
jax: 0.10.2.dev20260603
libtpu: 0.0.44.dev20260713+nightly
codegen_flags: <defaults>
</compile_context>

<pallas_src>
import functools

import jax
import jax.numpy as jnp
from jax import lax
from jax.experimental import pallas as pl
from jax.experimental.pallas import tpu as pltpu
from jax.experimental.pallas import tpu_sc as plsc

_MAXLEN = 2048
_EMB = 64
_NC, _NS = 2, 16
_NW = _NC * _NS
_CHUNK = 128
_SUB = 128
_NSUB = _CHUNK // _SUB
_NBUF = 2
_PADW = 128


@functools.cache
def _make_sc_gather(B: int):
    bpw = B // _NW
    nchunk = bpw // _CHUNK
    assert nchunk % _NBUF == 0
    mesh = plsc.VectorSubcoreMesh(
        core_axis_name="c", subcore_axis_name="s",
        num_cores=_NC, num_subcores=_NS,
    )

    @functools.partial(
        pl.kernel,
        out_type=jax.ShapeDtypeStruct((B, _EMB), jnp.float32),
        mesh=mesh,
        scratch_types=[
            pltpu.VMEM((_NBUF, _CHUNK), jnp.int32),
            pltpu.VMEM((_NBUF, _NSUB, _SUB), jnp.int32),
            pltpu.VMEM((_NBUF, _CHUNK, _PADW), jnp.float32),
            pltpu.VMEM((_NBUF, _CHUNK, _EMB), jnp.float32),
            pltpu.VMEM_SHARED((2 * _MAXLEN, _PADW), jnp.float32),
            pltpu.SemaphoreType.DMA((_NBUF,)),
            pltpu.SemaphoreType.DMA((_NBUF,)),
            pltpu.SemaphoreType.DMA((_NBUF,)),
        ],
    )
    def gather_kernel(pos_hbm, tab_hbm, out_hbm, idx_raw, idx2, rows,
                      rows64, tab_sh, isem, gsem, osem):
        wid = lax.axis_index("s") * _NC + lax.axis_index("c")
        base = wid * bpw

        @pl.when(lax.axis_index("s") == 0)
        def _():
            pltpu.sync_copy(tab_hbm, tab_sh)
        plsc.subcore_barrier()

        def idx_copy(g, b):
            return pltpu.make_async_copy(
                pos_hbm.at[pl.ds(base + g * _CHUNK, _CHUNK)],
                idx_raw.at[b], isem.at[b])

        def gat_copy(b, j):
            return pltpu.make_async_copy(
                tab_sh.at[idx2.at[b, j]],
                rows.at[b, pl.ds(j * _SUB, _SUB)], gsem.at[b])

        def out_copy(g, b):
            return pltpu.make_async_copy(
                rows64.at[b],
                out_hbm.at[pl.ds(base + g * _CHUNK, _CHUNK)], osem.at[b])

        for b in range(_NBUF):
            idx_copy(b, b).start()

        def pair_body(p, carry):
            for b in range(_NBUF):
                g = p * _NBUF + b
                idx_copy(g, b).wait()
                for i in range(_CHUNK // 16):
                    v = idx_raw[b, pl.ds(i * 16, 16)]
                    v = jnp.minimum(v, _MAXLEN - 1)
                    v = jnp.maximum(v, -_MAXLEN)
                    v = v + _MAXLEN
                    r, c = divmod(i * 16, _SUB)
                    idx2[b, r, pl.ds(c, 16)] = v

                @pl.when(p > 0)
                def _():
                    out_copy(g - _NBUF, b).wait()

                for j in range(_NSUB):
                    gat_copy(b, j).start()

                @pl.when(g + _NBUF < nchunk)
                def _():
                    idx_copy(g + _NBUF, b).start()

                for j in range(_NSUB):
                    gat_copy(b, j).wait()

                @plsc.parallel_loop(0, _CHUNK, unroll=4)
                def _(j):
                    for e0 in range(_EMB // 16):
                        rows64[b, j, pl.ds(e0 * 16, 16)] = (
                            rows[b, j, pl.ds(e0 * 16, 16)])
                out_copy(g, b).start()
            return carry

        lax.fori_loop(0, nchunk // _NBUF, pair_body, 0)
        for b in range(_NBUF):
            out_copy(nchunk - _NBUF + b, b).wait()

    return gather_kernel


@jax.jit
def kernel(positions, pe_k_weight):
    seq_a, seq_b = positions.shape
    B = seq_a * seq_b
    pos_flat = positions.reshape(B).astype(jnp.int32)
    tab_pad = jnp.pad(pe_k_weight, ((0, 0), (0, _PADW - _EMB)))
    out = _make_sc_gather(B)(pos_flat, tab_pad)
    return out.reshape(seq_a, seq_b, _EMB)

# --- scband reference (transcript-rebuilt; emitter-appended) ---
"""Pipeline reference for scband-relative-positional-encoding-67113158967904 (READ-ONLY COPY).

The authoritative reference and input builder live on the scoring server;
editing this copy changes nothing except your own understanding.
"""

import jax, jax.numpy as jnp
import numpy as np

MAXLEN = 2048
EMB_DIM = 64
SEQ = 2048

def setup_inputs(seed: int = 0) -> dict:
    key = jax.random.key(seed)
    k_pos, k_tab = jax.random.split(key)
    positions = jax.random.randint(k_pos, (SEQ, SEQ), 0, MAXLEN, dtype=jnp.int64 if jax.config.jax_enable_x64 else jnp.int32)
    pe_k_weight = jax.random.normal(k_tab, (2 * MAXLEN, EMB_DIM), dtype=jnp.float32)
    return {"positions": positions, "pe_k_weight": pe_k_weight}

def reference(positions, pe_k_weight):
    # clamp(positions, -maxlen, maxlen-1) + maxlen, then embedding lookup
    idx = jnp.clip(positions, -MAXLEN, MAXLEN - 1) + MAXLEN
    pe_k = jnp.take(pe_k_weight, idx, axis=0)
    return pe_k

if __name__ == "__main__":
    import jax
    _d = setup_inputs()
    print(jax.jit(kernel)(*tuple(_d.values())))

</pallas_src>

<mosaic_0001>
#map = affine_map<(d0, d1) -> (0)>
#map1 = affine_map<(d0, d1) -> (0, 0)>
module attributes {stable_mosaic.version = 14 : i64} {
  func.func @gather_kernel(%arg0: i32, %arg1: i32, %arg2: memref<4194304xi32, #tpu.memory_space<hbm>>, %arg3: memref<4096x128xf32, #tpu.memory_space<hbm>>, %arg4: memref<4194304x64xf32, #tpu.memory_space<hbm>>, %arg5: memref<2x128xi32, #tpu.memory_space<vmem>>, %arg6: memref<2x1x128xi32, #tpu.memory_space<vmem>>, %arg7: memref<2x128x128xf32, #tpu.memory_space<vmem>>, %arg8: memref<2x128x64xf32, #tpu.memory_space<vmem>>, %arg9: memref<4096x128xf32, #tpu.memory_space<vmem_shared>>, %arg10: memref<2x!tpu.dma_semaphore, #tpu.memory_space<semaphore_mem>>, %arg11: memref<2x!tpu.dma_semaphore, #tpu.memory_space<semaphore_mem>>, %arg12: memref<2x!tpu.dma_semaphore, #tpu.memory_space<semaphore_mem>>) attributes {dimension_semantics = [#tpu.dimension_semantics<core_parallel>, #tpu.dimension_semantics<subcore_parallel>], iteration_bounds = array<i64: 2, 16>, scalar_prefetch = 0 : i64, scratch_operands = 8 : i64, tpu.core_type = #tpu.core_type<sc_vector_subcore>, window_params = [{transform_indices = #map}, {transform_indices = #map1}, {transform_indices = #map1}]} {
    %mul3A = arith.constant 2 : i32
    %mul3A_0 = arith.muli %arg1, %mul3A : i32
    %add3A = arith.addi %mul3A_0, %arg0 : i32
    %mul3A_1 = arith.constant 131072 : i32
    %mul3A_2 = arith.muli %add3A, %mul3A_1 : i32
    %eq3A = arith.constant 0 : i32
    %eq3A_3 = arith.cmpi eq, %arg1, %eq3A : i32
    %convert_element_type3A = arith.extui %eq3A_3 : i1 to i32
    %cond3A = arith.constant 0 : i32
    %cond3A_4 = arith.cmpi ne, %convert_element_type3A, %cond3A : i32
    scf.if %cond3A_4 {
      "tpu.region"() ({
        %run_scoped3A = tpu.sem_alloc : memref<!tpu.dma_semaphore, #tpu.memory_space<semaphore_mem>>
        tpu.enqueue_dma source(%arg3 : memref<4096x128xf32, #tpu.memory_space<hbm>>) target(%arg9 : memref<4096x128xf32, #tpu.memory_space<vmem_shared>>) target_semaphore(%run_scoped3A : memref<!tpu.dma_semaphore, #tpu.memory_space<semaphore_mem>>)
        tpu.wait_dma2 semaphore(%run_scoped3A : memref<!tpu.dma_semaphore, #tpu.memory_space<semaphore_mem>>) src(%arg3 : memref<4096x128xf32, #tpu.memory_space<hbm>>) dst(%arg9 : memref<4096x128xf32, #tpu.memory_space<vmem_shared>>)
        tpu.yield
      }) : () -> ()
    } else {
    }
    %barrier3A = arith.constant 0 : index
    tpu.barrier barrier_id(%barrier3A)
    %add3A_5 = arith.constant 0 : i32
    %add3A_6 = arith.addi %mul3A_2, %add3A_5 : i32
    %dma_start3A = arith.constant 0 : i32
    %dma_start3A_7 = arith.constant 0 : i32
    %dma_start3A_8 = arith.constant 0 : i32
    %dma_start3A_9 = tpu.memref_slice %arg5[%dma_start3A, %dma_start3A_8] : memref<2x128xi32, #tpu.memory_space<vmem>> -> memref<1x128xi32, #tpu.memory_space<vmem>>
    %dma_start3A_10 = tpu.memref_squeeze %dma_start3A_9 : memref<1x128xi32, #tpu.memory_space<vmem>> -> memref<128xi32, #tpu.memory_space<vmem>>
    %dma_start3A_11 = tpu.memref_slice %arg2[%add3A_6] : memref<4194304xi32, #tpu.memory_space<hbm>> -> memref<128xi32, #tpu.memory_space<hbm>>
    %dma_start3A_12 = tpu.memref_slice %arg10[%dma_start3A_7] : memref<2x!tpu.dma_semaphore, #tpu.memory_space<semaphore_mem>> -> memref<1x!tpu.dma_semaphore, #tpu.memory_space<semaphore_mem>>
    %dma_start3A_13 = tpu.memref_squeeze %dma_start3A_12 : memref<1x!tpu.dma_semaphore, #tpu.memory_space<semaphore_mem>> -> memref<!tpu.dma_semaphore, #tpu.memory_space<semaphore_mem>>
    %dma_start3A_14 = arith.constant 0 : i32
    %dma_start3A_15 = tpu.memref_slice %arg5[%dma_start3A, %dma_start3A_14] : memref<2x128xi32, #tpu.memory_space<vmem>> -> memref<1x128xi32, #tpu.memory_space<vmem>>
    %dma_start3A_16 = tpu.memref_squeeze %dma_start3A_15 : memref<1x128xi32, #tpu.memory_space<vmem>> -> memref<128xi32, #tpu.memory_space<vmem>>
    %dma_start3A_17 = tpu.memref_slice %arg2[%add3A_6] : memref<4194304xi32, #tpu.memory_space<hbm>> -> memref<128xi32, #tpu.memory_space<hbm>>
    tpu.enqueue_dma source(%dma_start3A_17 : memref<128xi32, #tpu.memory_space<hbm>>) target(%dma_start3A_16 : memref<128xi32, #tpu.memory_space<vmem>>) target_semaphore(%dma_start3A_13 : memref<!tpu.dma_semaphore, #tpu.memory_space<semaphore_mem>>)
    %add3A_18 = arith.constant 128 : i32
    %add3A_19 = arith.addi %mul3A_2, %add3A_18 : i32
    %dma_start3A_20 = arith.constant 1 : i32
    %dma_start3A_21 = arith.constant 1 : i32
    %dma_start3A_22 = arith.constant 0 : i32
    %dma_start3A_23 = tpu.memref_slice %arg5[%dma_start3A_20, %dma_start3A_22] : memref<2x128xi32, #tpu.memory_space<vmem>> -> memref<1x128xi32, #tpu.memory_space<vmem>>
    %dma_start3A_24 = tpu.memref_squeeze %dma_start3A_23 : memref<1x128xi32, #tpu.memory_space<vmem>> -> memref<128xi32, #tpu.memory_space<vmem>>
    %dma_start3A_25 = tpu.memref_slice %arg2[%add3A_19] : memref<4194304xi32, #tpu.memory_space<hbm>> -> memref<128xi32, #tpu.memory_space<hbm>>
    %dma_start3A_26 = tpu.memref_slice %arg10[%dma_start3A_21] : memref<2x!tpu.dma_semaphore, #tpu.memory_space<semaphore_mem>> -> memref<1x!tpu.dma_semaphore, #tpu.memory_space<semaphore_mem>>
    %dma_start3A_27 = tpu.memref_squeeze %dma_start3A_26 : memref<1x!tpu.dma_semaphore, #tpu.memory_space<semaphore_mem>> -> memref<!tpu.dma_semaphore, #tpu.memory_space<semaphore_mem>>
    %dma_start3A_28 = arith.constant 0 : i32
    %dma_start3A_29 = tpu.memref_slice %arg5[%dma_start3A_20, %dma_start3A_28] : memref<2x128xi32, #tpu.memory_space<vmem>> -> memref<1x128xi32, #tpu.memory_space<vmem>>
    %dma_start3A_30 = tpu.memref_squeeze %dma_start3A_29 : memref<1x128xi32, #tpu.memory_space<vmem>> -> memref<128xi32, #tpu.memory_space<vmem>>
    %dma_start3A_31 = tpu.memref_slice %arg2[%add3A_19] : memref<4194304xi32, #tpu.memory_space<hbm>> -> memref<128xi32, #tpu.memory_space<hbm>>
    tpu.enqueue_dma source(%dma_start3A_31 : memref<128xi32, #tpu.memory_space<hbm>>) target(%dma_start3A_30 : memref<128xi32, #tpu.memory_space<vmem>>) target_semaphore(%dma_start3A_27 : memref<!tpu.dma_semaphore, #tpu.memory_space<semaphore_mem>>)
    %scan3A = arith.constant 0 : i32
    %scan3A_32 = arith.constant 0 : i32
    %scan3A_33 = arith.constant 512 : i32
    %scan3A_34 = arith.addi %scan3A_32, %scan3A_33 : i32
    %scan3A_35 = arith.constant 1 : i32
    scf.for %scan3A_72 = %scan3A_32 to %scan3A_34 step %scan3A_35  : i32 {
      %mul3A_73 = arith.constant 2 : i32
      %mul3A_74 = arith.muli %scan3A_72, %mul3A_73 : i32
      %add3A_75 = arith.constant 0 : i32
      %add3A_76 = arith.addi %mul3A_74, %add3A_75 : i32
      %mul3A_77 = arith.constant 128 : i32
      %mul3A_78 = arith.muli %add3A_76, %mul3A_77 : i32
      %add3A_79 = arith.addi %mul3A_2, %mul3A_78 : i32
      %dma_wait3A_80 = arith.constant 0 : i32
      %dma_wait3A_81 = arith.constant 0 : i32
      %dma_wait3A_82 = arith.constant 0 : i32
      %dma_wait3A_83 = tpu.memref_slice %arg5[%dma_wait3A_80, %dma_wait3A_82] : memref<2x128xi32, #tpu.memory_space<vmem>> -> memref<1x128xi32, #tpu.memory_space<vmem>>
      %dma_wait3A_84 = tpu.memref_squeeze %dma_wait3A_83 : memref<1x128xi32, #tpu.memory_space<vmem>> -> memref<128xi32, #tpu.memory_space<vmem>>
      %dma_wait3A_85 = tpu.memref_slice %arg2[%add3A_79] : memref<4194304xi32, #tpu.memory_space<hbm>> -> memref<128xi32, #tpu.memory_space<hbm>>
      %dma_wait3A_86 = tpu.memref_slice %arg10[%dma_wait3A_81] : memref<2x!tpu.dma_semaphore, #tpu.memory_space<semaphore_mem>> -> memref<1x!tpu.dma_semaphore, #tpu.memory_space<semaphore_mem>>
      %dma_wait3A_87 = tpu.memref_squeeze %dma_wait3A_86 : memref<1x!tpu.dma_semaphore, #tpu.memory_space<semaphore_mem>> -> memref<!tpu.dma_semaphore, #tpu.memory_space<semaphore_mem>>
      %dma_wait3A_88 = arith.constant 0 : i32
      %dma_wait3A_89 = tpu.memref_slice %arg5[%dma_wait3A_80, %dma_wait3A_88] : memref<2x128xi32, #tpu.memory_space<vmem>> -> memref<1x128xi32, #tpu.memory_space<vmem>>
      %dma_wait3A_90 = tpu.memref_squeeze %dma_wait3A_89 : memref<1x128xi32, #tpu.memory_space<vmem>> -> memref<128xi32, #tpu.memory_space<vmem>>
      %dma_wait3A_91 = tpu.memref_slice %arg2[%add3A_79] : memref<4194304xi32, #tpu.memory_space<hbm>> -> memref<128xi32, #tpu.memory_space<hbm>>
      tpu.wait_dma2 semaphore(%dma_wait3A_87 : memref<!tpu.dma_semaphore, #tpu.memory_space<semaphore_mem>>) src(%dma_wait3A_91 : memref<128xi32, #tpu.memory_space<hbm>>) dst(%dma_wait3A_90 : memref<128xi32, #tpu.memory_space<vmem>>)
      %get3A = arith.constant 0 : i32
      %get3A_92 = arith.index_cast %get3A : i32 to index
      %get3A_93 = arith.constant 0 : index
      %get3A_94 = tpu.vector_load %arg5[%get3A_92, %get3A_93] {strides = array<i32>} : memref<2x128xi32, #tpu.memory_space<vmem>>, vector<1x16xi32>,
      %get3A_95 = vector.shape_cast %get3A_94 : vector<1x16xi32> to vector<16xi32>
      %min3A = arith.constant 2047 : i32
      %min3A_96 = vector.broadcast %min3A : i32 to vector<16xi32>
      %min3A_97 = arith.minsi %get3A_95, %min3A_96 : vector<16xi32>
      %max3A = arith.constant -2048 : i32
      %max3A_98 = vector.broadcast %max3A : i32 to vector<16xi32>
      %max3A_99 = arith.maxsi %min3A_97, %max3A_98 : vector<16xi32>
      %add3A_100 = arith.constant 2048 : i32
      %add3A_101 = vector.broadcast %add3A_100 : i32 to vector<16xi32>
      %add3A_102 = arith.addi %max3A_99, %add3A_101 : vector<16xi32>
      %swap3A = arith.constant 0 : i32
      %swap3A_103 = arith.constant 0 : i32
      %swap3A_104 = arith.index_cast %swap3A : i32 to index
      %swap3A_105 = arith.index_cast %swap3A_103 : i32 to index
      %swap3A_106 = arith.constant 0 : index
      %swap3A_107 = tpu.vector_load %arg6[%swap3A_104, %swap3A_105, %swap3A_106] {strides = array<i32>} : memref<2x1x128xi32, #tpu.memory_space<vmem>>, vector<1x1x16xi32>,
      %swap3A_108 = vector.shape_cast %swap3A_107 : vector<1x1x16xi32> to vector<16xi32>
      %swap3A_109 = vector.shape_cast %add3A_102 : vector<16xi32> to vector<1x1x16xi32>
      tpu.vector_store %arg6[%swap3A_104, %swap3A_105, %swap3A_106], %swap3A_109 {strides = array<i32>} : memref<2x1x128xi32, #tpu.memory_space<vmem>>, vector<1x1x16xi32>,
      %get3A_110 = arith.constant 0 : i32
      %get3A_111 = arith.index_cast %get3A_110 : i32 to index
      %get3A_112 = arith.constant 16 : index
      %get3A_113 = tpu.vector_load %arg5[%get3A_111, %get3A_112] {strides = array<i32>} : memref<2x128xi32, #tpu.memory_space<vmem>>, vector<1x16xi32>,
      %get3A_114 = vector.shape_cast %get3A_113 : vector<1x16xi32> to vector<16xi32>
      %min3A_115 = arith.constant 2047 : i32
      %min3A_116 = vector.broadcast %min3A_115 : i32 to vector<16xi32>
      %min3A_117 = arith.minsi %get3A_114, %min3A_116 : vector<16xi32>
      %max3A_118 = arith.constant -2048 : i32
      %max3A_119 = vector.broadcast %max3A_118 : i32 to vector<16xi32>
      %max3A_120 = arith.maxsi %min3A_117, %max3A_119 : vector<16xi32>
      %add3A_121 = arith.constant 2048 : i32
      %add3A_122 = vector.broadcast %add3A_121 : i32 to vector<16xi32>
      %add3A_123 = arith.addi %max3A_120, %add3A_122 : vector<16xi32>
      %swap3A_124 = arith.constant 0 : i32
      %swap3A_125 = arith.constant 0 : i32
      %swap3A_126 = arith.index_cast %swap3A_124 : i32 to index
      %swap3A_127 = arith.index_cast %swap3A_125 : i32 to index
      %swap3A_128 = arith.constant 16 : index
      %swap3A_129 = tpu.vector_load %arg6[%swap3A_126, %swap3A_127, %swap3A_128] {strides = array<i32>} : memref<2x1x128xi32, #tpu.memory_space<vmem>>, vector<1x1x16xi32>,
      %swap3A_130 = vector.shape_cast %swap3A_129 : vector<1x1x16xi32> to vector<16xi32>
      %swap3A_131 = vector.shape_cast %add3A_123 : vector<16xi32> to vector<1x1x16xi32>
      tpu.vector_store %arg6[%swap3A_126, %swap3A_127, %swap3A_128], %swap3A_131 {strides = array<i32>} : memref<2x1x128xi32, #tpu.memory_space<vmem>>, vector<1x1x16xi32>,
      %get3A_132 = arith.constant 0 : i32
      %get3A_133 = arith.index_cast %get3A_132 : i32 to index
      %get3A_134 = arith.constant 32 : index
      %get3A_135 = tpu.vector_load %arg5[%get3A_133, %get3A_134] {strides = array<i32>} : memref<2x128xi32, #tpu.memory_space<vmem>>, vector<1x16xi32>,
      %get3A_136 = vector.shape_cast %get3A_135 : vector<1x16xi32> to vector<16xi32>
      %min3A_137 = arith.constant 2047 : i32
      %min3A_138 = vector.broadcast %min3A_137 : i32 to vector<16xi32>
      %min3A_139 = arith.minsi %get3A_136, %min3A_138 : vector<16xi32>
      %max3A_140 = arith.constant -2048 : i32
      %max3A_141 = vector.broadcast %max3A_140 : i32 to vector<16xi32>
      %max3A_142 = arith.maxsi %min3A_139, %max3A_141 : vector<16xi32>
      %add3A_143 = arith.constant 2048 : i32
      %add3A_144 = vector.broadcast %add3A_143 : i32 to vector<16xi32>
      %add3A_145 = arith.addi %max3A_142, %add3A_144 : vector<16xi32>
      %swap3A_146 = arith.constant 0 : i32
      %swap3A_147 = arith.constant 0 : i32
      %swap3A_148 = arith.index_cast %swap3A_146 : i32 to index
      %swap3A_149 = arith.index_cast %swap3A_147 : i32 to index
      %swap3A_150 = arith.constant 32 : index
      %swap3A_151 = tpu.vector_load %arg6[%swap3A_148, %swap3A_149, %swap3A_150] {strides = array<i32>} : memref<2x1x128xi32, #tpu.memory_space<vmem>>, vector<1x1x16xi32>,
      %swap3A_152 = vector.shape_cast %swap3A_151 : vector<1x1x16xi32> to vector<16xi32>
      %swap3A_153 = vector.shape_cast %add3A_145 : vector<16xi32> to vector<1x1x16xi32>
      tpu.vector_store %arg6[%swap3A_148, %swap3A_149, %swap3A_150], %swap3A_153 {strides = array<i32>} : memref<2x1x128xi32, #tpu.memory_space<vmem>>, vector<1x1x16xi32>,
      %get3A_154 = arith.constant 0 : i32
      %get3A_155 = arith.index_cast %get3A_154 : i32 to index
      %get3A_156 = arith.constant 48 : index
      %get3A_157 = tpu.vector_load %arg5[%get3A_155, %get3A_156] {strides = array<i32>} : memref<2x128xi32, #tpu.memory_space<vmem>>, vector<1x16xi32>,
      %get3A_158 = vector.shape_cast %get3A_157 : vector<1x16xi32> to vector<16xi32>
      %min3A_159 = arith.constant 2047 : i32
      %min3A_160 = vector.broadcast %min3A_159 : i32 to vector<16xi32>
      %min3A_161 = arith.minsi %get3A_158, %min3A_160 : vector<16xi32>
      %max3A_162 = arith.constant -2048 : i32
      %max3A_163 = vector.broadcast %max3A_162 : i32 to vector<16xi32>
      %max3A_164 = arith.maxsi %min3A_161, %max3A_163 : vector<16xi32>
      %add3A_165 = arith.constant 2048 : i32
      %add3A_166 = vector.broadcast %add3A_165 : i32 to vector<16xi32>
      %add3A_167 = arith.addi %max3A_164, %add3A_166 : vector<16xi32>
      %swap3A_168 = arith.constant 0 : i32
      %swap3A_169 = arith.constant 0 : i32
      %swap3A_170 = arith.index_cast %swap3A_168 : i32 to index
      %swap3A_171 = arith.index_cast %swap3A_169 : i32 to index
      %swap3A_172 = arith.constant 48 : index
      %swap3A_173 = tpu.vector_load %arg6[%swap3A_170, %swap3A_171, %swap3A_172] {strides = array<i32>} : memref<2x1x128xi32, #tpu.memory_space<vmem>>, vector<1x1x16xi32>,
      %swap3A_174 = vector.shape_cast %swap3A_173 : vector<1x1x16xi32> to vector<16xi32>
      %swap3A_175 = vector.shape_cast %add3A_167 : vector<16xi32> to vector<1x1x16xi32>
      tpu.vector_store %arg6[%swap3A_170, %swap3A_171, %swap3A_172], %swap3A_175 {strides = array<i32>} : memref<2x1x128xi32, #tpu.memory_space<vmem>>, vector<1x1x16xi32>,
      %get3A_176 = arith.constant 0 : i32
      %get3A_177 = arith.index_cast %get3A_176 : i32 to index
      %get3A_178 = arith.constant 64 : index
      %get3A_179 = tpu.vector_load %arg5[%get3A_177, %get3A_178] {strides = array<i32>} : memref<2x128xi32, #tpu.memory_space<vmem>>, vector<1x16xi32>,
      %get3A_180 = vector.shape_cast %get3A_179 : vector<1x16xi32> to vector<16xi32>
      %min3A_181 = arith.constant 2047 : i32
      %min3A_182 = vector.broadcast %min3A_181 : i32 to vector<16xi32>
      %min3A_183 = arith.minsi %get3A_180, %min3A_182 : vector<16xi32>
      %max3A_184 = arith.constant -2048 : i32
      %max3A_185 = vector.broadcast %max3A_184 : i32 to vector<16xi32>
      %max3A_186 = arith.maxsi %min3A_183, %max3A_185 : vector<16xi32>
      %add3A_187 = arith.constant 2048 : i32
      %add3A_188 = vector.broadcast %add3A_187 : i32 to vector<16xi32>
      %add3A_189 = arith.addi %max3A_186, %add3A_188 : vector<16xi32>
      %swap3A_190 = arith.constant 0 : i32
      %swap3A_191 = arith.constant 0 : i32
      %swap3A_192 = arith.index_cast %swap3A_190 : i32 to index
      %swap3A_193 = arith.index_cast %swap3A_191 : i32 to index
      %swap3A_194 = arith.constant 64 : index
      %swap3A_195 = tpu.vector_load %arg6[%swap3A_192, %swap3A_193, %swap3A_194] {strides = array<i32>} : memref<2x1x128xi32, #tpu.memory_space<vmem>>, vector<1x1x16xi32>,
      %swap3A_196 = vector.shape_cast %swap3A_195 : vector<1x1x16xi32> to vector<16xi32>
      %swap3A_197 = vector.shape_cast %add3A_189 : vector<16xi32> to vector<1x1x16xi32>
      tpu.vector_store %arg6[%swap3A_192, %swap3A_193, %swap3A_194], %swap3A_197 {strides = array<i32>} : memref<2x1x128xi32, #tpu.memory_space<vmem>>, vector<1x1x16xi32>,
      %get3A_198 = arith.constant 0 : i32
      %get3A_199 = arith.index_cast %get3A_198 : i32 to index
      %get3A_200 = arith.constant 80 : index
      %get3A_201 = tpu.vector_load %arg5[%get3A_199, %get3A_200] {strides = array<i32>} : memref<2x128xi32, #tpu.memory_space<vmem>>, vector<1x16xi32>,
      %get3A_202 = vector.shape_cast %get3A_201 : vector<1x16xi32> to vector<16xi32>
      %min3A_203 = arith.constant 2047 : i32
      %min3A_204 = vector.broadcast %min3A_203 : i32 to vector<16xi32>
      %min3A_205 = arith.minsi %get3A_202, %min3A_204 : vector<16xi32>
      %max3A_206 = arith.constant -2048 : i32
      %max3A_207 = vector.broadcast %max3A_206 : i32 to vector<16xi32>
      %max3A_208 = arith.maxsi %min3A_205, %max3A_207 : vector<16xi32>
      %add3A_209 = arith.constant 2048 : i32
      %add3A_210 = vector.broadcast %add3A_209 : i32 to vector<16xi32>
      %add3A_211 = arith.addi %max3A_208, %add3A_210 : vector<16xi32>
      %swap3A_212 = arith.constant 0 : i32
      %swap3A_213 = arith.constant 0 : i32
      %swap3A_214 = arith.index_cast %swap3A_212 : i32 to index
      %swap3A_215 = arith.index_cast %swap3A_213 : i32 to index
      %swap3A_216 = arith.constant 80 : index
      %swap3A_217 = tpu.vector_load %arg6[%swap3A_214, %swap3A_215, %swap3A_216] {strides = array<i32>} : memref<2x1x128xi32, #tpu.memory_space<vmem>>, vector<1x1x16xi32>,
      %swap3A_218 = vector.shape_cast %swap3A_217 : vector<1x1x16xi32> to vector<16xi32>
      %swap3A_219 = vector.shape_cast %add3A_211 : vector<16xi32> to vector<1x1x16xi32>
      tpu.vector_store %arg6[%swap3A_214, %swap3A_215, %swap3A_216], %swap3A_219 {strides = array<i32>} : memref<2x1x128xi32, #tpu.memory_space<vmem>>, vector<1x1x16xi32>,
      %get3A_220 = arith.constant 0 : i32
      %get3A_221 = arith.index_cast %get3A_220 : i32 to index
      %get3A_222 = arith.constant 96 : index
      %get3A_223 = tpu.vector_load %arg5[%get3A_221, %get3A_222] {strides = array<i32>} : memref<2x128xi32, #tpu.memory_space<vmem>>, vector<1x16xi32>,
      %get3A_224 = vector.shape_cast %get3A_223 : vector<1x16xi32> to vector<16xi32>
      %min3A_225 = arith.constant 2047 : i32
      %min3A_226 = vector.broadcast %min3A_225 : i32 to vector<16xi32>
      %min3A_227 = arith.minsi %get3A_224, %min3A_226 : vector<16xi32>
      %max3A_228 = arith.constant -2048 : i32
      %max3A_229 = vector.broadcast %max3A_228 : i32 to vector<16xi32>
      %max3A_230 = arith.maxsi %min3A_227, %max3A_229 : vector<16xi32>
      %add3A_231 = arith.constant 2048 : i32
      %add3A_232 = vector.broadcast %add3A_231 : i32 to vector<16xi32>
      %add3A_233 = arith.addi %max3A_230, %add3A_232 : vector<16xi32>
      %swap3A_234 = arith.constant 0 : i32
      %swap3A_235 = arith.constant 0 : i32
      %swap3A_236 = arith.index_cast %swap3A_234 : i32 to index
      %swap3A_237 = arith.index_cast %swap3A_235 : i32 to index
      %swap3A_238 = arith.constant 96 : index
      %swap3A_239 = tpu.vector_load %arg6[%swap3A_236, %swap3A_237, %swap3A_238] {strides = array<i32>} : memref<2x1x128xi32, #tpu.memory_space<vmem>>, vector<1x1x16xi32>,
      %swap3A_240 = vector.shape_cast %swap3A_239 : vector<1x1x16xi32> to vector<16xi32>
      %swap3A_241 = vector.shape_cast %add3A_233 : vector<16xi32> to vector<1x1x16xi32>
      tpu.vector_store %arg6[%swap3A_236, %swap3A_237, %swap3A_238], %swap3A_241 {strides = array<i32>} : memref<2x1x128xi32, #tpu.memory_space<vmem>>, vector<1x1x16xi32>,
      %get3A_242 = arith.constant 0 : i32
      %get3A_243 = arith.index_cast %get3A_242 : i32 to index
      %get3A_244 = arith.constant 112 : index
      %get3A_245 = tpu.vector_load %arg5[%get3A_243, %get3A_244] {strides = array<i32>} : memref<2x128xi32, #tpu.memory_space<vmem>>, vector<1x16xi32>,
      %get3A_246 = vector.shape_cast %get3A_245 : vector<1x16xi32> to vector<16xi32>
      %min3A_247 = arith.constant 2047 : i32
      %min3A_248 = vector.broadcast %min3A_247 : i32 to vector<16xi32>
      %min3A_249 = arith.minsi %get3A_246, %min3A_248 : vector<16xi32>
      %max3A_250 = arith.constant -2048 : i32
      %max3A_251 = vector.broadcast %max3A_250 : i32 to vector<16xi32>
      %max3A_252 = arith.maxsi %min3A_249, %max3A_251 : vector<16xi32>
      %add3A_253 = arith.constant 2048 : i32
      %add3A_254 = vector.broadcast %add3A_253 : i32 to vector<16xi32>
      %add3A_255 = arith.addi %max3A_252, %add3A_254 : vector<16xi32>
      %swap3A_256 = arith.constant 0 : i32
      %swap3A_257 = arith.constant 0 : i32
      %swap3A_258 = arith.index_cast %swap3A_256 : i32 to index
      %swap3A_259 = arith.index_cast %swap3A_257 : i32 to index
      %swap3A_260 = arith.constant 112 : index
      %swap3A_261 = tpu.vector_load %arg6[%swap3A_258, %swap3A_259, %swap3A_260] {strides = array<i32>} : memref<2x1x128xi32, #tpu.memory_space<vmem>>, vector<1x1x16xi32>,
      %swap3A_262 = vector.shape_cast %swap3A_261 : vector<1x1x16xi32> to vector<16xi32>
      %swap3A_263 = vector.shape_cast %add3A_255 : vector<16xi32> to vector<1x1x16xi32>
      tpu.vector_store %arg6[%swap3A_258, %swap3A_259, %swap3A_260], %swap3A_263 {strides = array<i32>} : memref<2x1x128xi32, #tpu.memory_space<vmem>>, vector<1x1x16xi32>,
      %gt3A = arith.constant 0 : i32
      %gt3A_264 = arith.cmpi sgt, %scan3A_72, %gt3A : i32
      %convert_element_type3A_265 = arith.extui %gt3A_264 : i1 to i32
      %cond3A_266 = arith.constant 0 : i32
      %cond3A_267 = arith.cmpi ne, %convert_element_type3A_265, %cond3A_266 : i32
      scf.if %cond3A_267 {
        %sub3A = arith.constant 2 : i32
        %sub3A_588 = arith.subi %add3A_76, %sub3A : i32
        %mul3A_589 = arith.constant 128 : i32
        %mul3A_590 = arith.muli %sub3A_588, %mul3A_589 : i32
        %add3A_591 = arith.addi %mul3A_2, %mul3A_590 : i32
        %dma_wait3A_592 = arith.constant 0 : i32
        %dma_wait3A_593 = arith.constant 0 : i32
        %dma_wait3A_594 = arith.constant 0 : i32
        %dma_wait3A_595 = arith.constant 0 : i32
        %dma_wait3A_596 = tpu.memref_slice %arg8[%dma_wait3A_592, %dma_wait3A_594, %dma_wait3A_595] : memref<2x128x64xf32, #tpu.memory_space<vmem>> -> memref<1x128x64xf32, #tpu.memory_space<vmem>>
        %dma_wait3A_597 = tpu.memref_squeeze %dma_wait3A_596 : memref<1x128x64xf32, #tpu.memory_space<vmem>> -> memref<128x64xf32, #tpu.memory_space<vmem>>
        %dma_wait3A_598 = arith.constant 0 : i32
        %dma_wait3A_599 = tpu.memref_slice %arg4[%add3A_591, %dma_wait3A_598] : memref<4194304x64xf32, #tpu.memory_space<hbm>> -> memref<128x64xf32, #tpu.memory_space<hbm>>
        %dma_wait3A_600 = tpu.memref_slice %arg12[%dma_wait3A_593] : memref<2x!tpu.dma_semaphore, #tpu.memory_space<semaphore_mem>> -> memref<1x!tpu.dma_semaphore, #tpu.memory_space<semaphore_mem>>
        %dma_wait3A_601 = tpu.memref_squeeze %dma_wait3A_600 : memref<1x!tpu.dma_semaphore, #tpu.memory_space<semaphore_mem>> -> memref<!tpu.dma_semaphore, #tpu.memory_space<semaphore_mem>>
        %dma_wait3A_602 = arith.constant 0 : i32
        %dma_wait3A_603 = tpu.memref_slice %arg4[%add3A_591, %dma_wait3A_602] : memref<4194304x64xf32, #tpu.memory_space<hbm>> -> memref<128x64xf32, #tpu.memory_space<hbm>>
        %dma_wait3A_604 = arith.constant 0 : i32
        %dma_wait3A_605 = arith.constant 0 : i32
        %dma_wait3A_606 = tpu.memref_slice %arg8[%dma_wait3A_592, %dma_wait3A_604, %dma_wait3A_605] : memref<2x128x64xf32, #tpu.memory_space<vmem>> -> memref<1x128x64xf32, #tpu.memory_space<vmem>>
        %dma_wait3A_607 = tpu.memref_squeeze %dma_wait3A_606 : memref<1x128x64xf32, #tpu.memory_space<vmem>> -> memref<128x64xf32, #tpu.memory_space<vmem>>
        tpu.wait_dma2 semaphore(%dma_wait3A_601 : memref<!tpu.dma_semaphore, #tpu.memory_space<semaphore_mem>>) src(%dma_wait3A_607 : memref<128x64xf32, #tpu.memory_space<vmem>>) dst(%dma_wait3A_603 : memref<128x64xf32, #tpu.memory_space<hbm>>)
      } else {
      }
      %dma_start3A_268 = arith.constant 0 : i32
      %dma_start3A_269 = arith.constant 0 : i32
      %dma_start3A_270 = arith.constant 0 : i32
      %dma_start3A_271 = arith.constant 0 : i32
      %dma_start3A_272 = arith.constant 0 : i32
      %dma_start3A_273 = arith.constant 0 : i32
      %dma_start3A_274 = tpu.memref_slice %arg7[%dma_start3A_270, %dma_start3A_272, %dma_start3A_273] : memref<2x128x128xf32, #tpu.memory_space<vmem>> -> memref<1x128x128xf32, #tpu.memory_space<vmem>>
      %dma_start3A_275 = tpu.memref_squeeze %dma_start3A_274 : memref<1x128x128xf32, #tpu.memory_space<vmem>> -> memref<128x128xf32, #tpu.memory_space<vmem>>
      %dma_start3A_276 = arith.constant 0 : i32
      %dma_start3A_277 = tpu.memref_slice %arg6[%dma_start3A_268, %dma_start3A_269, %dma_start3A_276] : memref<2x1x128xi32, #tpu.memory_space<vmem>> -> memref<1x1x128xi32, #tpu.memory_space<vmem>>
      %dma_start3A_278 = tpu.memref_squeeze %dma_start3A_277 : memref<1x1x128xi32, #tpu.memory_space<vmem>> -> memref<128xi32, #tpu.memory_space<vmem>>
      %dma_start3A_279 = arith.constant 0 : i32
      %dma_start3A_280 = arith.constant 0 : i32
      %dma_start3A_281 = tpu.memref_slice %arg9[%dma_start3A_279, %dma_start3A_280] : memref<4096x128xf32, #tpu.memory_space<vmem_shared>> -> memref<4096x128xf32, #tpu.memory_space<vmem_shared>>
      %dma_start3A_282 = tpu.memref_slice %arg11[%dma_start3A_271] : memref<2x!tpu.dma_semaphore, #tpu.memory_space<semaphore_mem>> -> memref<1x!tpu.dma_semaphore, #tpu.memory_space<semaphore_mem>>
      %dma_start3A_283 = tpu.memref_squeeze %dma_start3A_282 : memref<1x!tpu.dma_semaphore, #tpu.memory_space<semaphore_mem>> -> memref<!tpu.dma_semaphore, #tpu.memory_space<semaphore_mem>>
      tpu.enqueue_indirect_dma source(%dma_start3A_281 : memref<4096x128xf32, #tpu.memory_space<vmem_shared>>) target(%dma_start3A_275 : memref<128x128xf32, #tpu.memory_space<vmem>>) offsets(%dma_start3A_278 : memref<128xi32, #tpu.memory_space<vmem>>) semaphore(%dma_start3A_283 : memref<!tpu.dma_semaphore, #tpu.memory_space<semaphore_mem>>)
      %add3A_284 = arith.constant 2 : i32
      %add3A_285 = arith.addi %add3A_76, %add3A_284 : i32
      %lt3A = arith.constant 1024 : i32
      %lt3A_286 = arith.cmpi slt, %add3A_285, %lt3A : i32
      %convert_element_type3A_287 = arith.extui %lt3A_286 : i1 to i32
      %cond3A_288 = arith.constant 0 : i32
      %cond3A_289 = arith.cmpi ne, %convert_element_type3A_287, %cond3A_288 : i32
      scf.if %cond3A_289 {
        %add3A_588 = arith.constant 2 : i32
        %add3A_589 = arith.addi %add3A_76, %add3A_588 : i32
        %mul3A_590 = arith.constant 128 : i32
        %mul3A_591 = arith.muli %add3A_589, %mul3A_590 : i32
        %add3A_592 = arith.addi %mul3A_2, %mul3A_591 : i32
        %dma_start3A_593 = arith.constant 0 : i32
        %dma_start3A_594 = arith.constant 0 : i32
        %dma_start3A_595 = arith.constant 0 : i32
        %dma_start3A_596 = tpu.memref_slice %arg5[%dma_start3A_593, %dma_start3A_595] : memref<2x128xi32, #tpu.memory_space<vmem>> -> memref<1x128xi32, #tpu.memory_space<vmem>>
        %dma_start3A_597 = tpu.memref_squeeze %dma_start3A_596 : memref<1x128xi32, #tpu.memory_space<vmem>> -> memref<128xi32, #tpu.memory_space<vmem>>
        %dma_start3A_598 = tpu.memref_slice %arg2[%add3A_592] : memref<4194304xi32, #tpu.memory_space<hbm>> -> memref<128xi32, #tpu.memory_space<hbm>>
        %dma_start3A_599 = tpu.memref_slice %arg10[%dma_start3A_594] : memref<2x!tpu.dma_semaphore, #tpu.memory_space<semaphore_mem>> -> memref<1x!tpu.dma_semaphore, #tpu.memory_space<semaphore_mem>>
        %dma_start3A_600 = tpu.memref_squeeze %dma_start3A_599 : memref<1x!tpu.dma_semaphore, #tpu.memory_space<semaphore_mem>> -> memref<!tpu.dma_semaphore, #tpu.memory_space<semaphore_mem>>
        %dma_start3A_601 = arith.constant 0 : i32
        %dma_start3A_602 = tpu.memref_slice %arg5[%dma_start3A_593, %dma_start3A_601] : memref<2x128xi32, #tpu.memory_space<vmem>> -> memref<1x128xi32, #tpu.memory_space<vmem>>
        %dma_start3A_603 = tpu.memref_squeeze %dma_start3A_602 : memref<1x128xi32, #tpu.memory_space<vmem>> -> memref<128xi32, #tpu.memory_space<vmem>>
        %dma_start3A_604 = tpu.memref_slice %arg2[%add3A_592] : memref<4194304xi32, #tpu.memory_space<hbm>> -> memref<128xi32, #tpu.memory_space<hbm>>
        tpu.enqueue_dma source(%dma_start3A_604 : memref<128xi32, #tpu.memory_space<hbm>>) target(%dma_start3A_603 : memref<128xi32, #tpu.memory_space<vmem>>) target_semaphore(%dma_start3A_600 : memref<!tpu.dma_semaphore, #tpu.memory_space<semaphore_mem>>)
      } else {
      }
      %dma_wait3A_290 = arith.constant 0 : i32
      %dma_wait3A_291 = arith.constant 0 : i32
      %dma_wait3A_292 = arith.constant 0 : i32
      %dma_wait3A_293 = arith.constant 0 : i32
      %dma_wait3A_294 = arith.constant 0 : i32
      %dma_wait3A_295 = arith.constant 0 : i32
      %dma_wait3A_296 = tpu.memref_slice %arg7[%dma_wait3A_292, %dma_wait3A_294, %dma_wait3A_295] : memref<2x128x128xf32, #tpu.memory_space<vmem>> -> memref<1x128x128xf32, #tpu.memory_space<vmem>>
      %dma_wait3A_297 = tpu.memref_squeeze %dma_wait3A_296 : memref<1x128x128xf32, #tpu.memory_space<vmem>> -> memref<128x128xf32, #tpu.memory_space<vmem>>
      %dma_wait3A_298 = arith.constant 0 : i32
      %dma_wait3A_299 = tpu.memref_slice %arg6[%dma_wait3A_290, %dma_wait3A_291, %dma_wait3A_298] : memref<2x1x128xi32, #tpu.memory_space<vmem>> -> memref<1x1x128xi32, #tpu.memory_space<vmem>>
      %dma_wait3A_300 = tpu.memref_squeeze %dma_wait3A_299 : memref<1x1x128xi32, #tpu.memory_space<vmem>> -> memref<128xi32, #tpu.memory_space<vmem>>
      %dma_wait3A_301 = arith.constant 0 : i32
      %dma_wait3A_302 = arith.constant 0 : i32
      %dma_wait3A_303 = tpu.memref_slice %arg9[%dma_wait3A_301, %dma_wait3A_302] : memref<4096x128xf32, #tpu.memory_space<vmem_shared>> -> memref<4096x128xf32, #tpu.memory_space<vmem_shared>>
      %dma_wait3A_304 = tpu.memref_slice %arg11[%dma_wait3A_293] : memref<2x!tpu.dma_semaphore, #tpu.memory_space<semaphore_mem>> -> memref<1x!tpu.dma_semaphore, #tpu.memory_space<semaphore_mem>>
      %dma_wait3A_305 = tpu.memref_squeeze %dma_wait3A_304 : memref<1x!tpu.dma_semaphore, #tpu.memory_space<semaphore_mem>> -> memref<!tpu.dma_semaphore, #tpu.memory_space<semaphore_mem>>
      tpu.wait_indirect_dma semaphore(%dma_wait3A_305 : memref<!tpu.dma_semaphore, #tpu.memory_space<semaphore_mem>>) src(%dma_wait3A_303 : memref<4096x128xf32, #tpu.memory_space<vmem_shared>>) dst(%dma_wait3A_297 : memref<128x128xf32, #tpu.memory_space<vmem>>)
      %parallel_loop3A = arith.constant 0 : i32
      %parallel_loop3A_306 = arith.constant 128 : i32
      %parallel_loop3A_307 = arith.constant 1 : i32
      scf.for %parallel_loop3A_588 = %parallel_loop3A to %parallel_loop3A_306 step %parallel_loop3A_307  : i32 {
        %parallel_loop3A_589 = arith.constant 0 : i32
        %parallel_loop3A_590 = arith.index_cast %parallel_loop3A_589 : i32 to index
        %parallel_loop3A_591 = arith.index_cast %parallel_loop3A_588 : i32 to index
        %parallel_loop3A_592 = arith.constant 0 : index
        %parallel_loop3A_593 = tpu.vector_load %arg7[%parallel_loop3A_590, %parallel_loop3A_591, %parallel_loop3A_592] {strides = array<i32>} : memref<2x128x128xf32, #tpu.memory_space<vmem>>, vector<1x1x16xf32>,
        %parallel_loop3A_594 = vector.shape_cast %parallel_loop3A_593 : vector<1x1x16xf32> to vector<16xf32>
        %parallel_loop3A_595 = arith.constant 0 : i32
        %parallel_loop3A_596 = arith.index_cast %parallel_loop3A_595 : i32 to index
        %parallel_loop3A_597 = arith.index_cast %parallel_loop3A_588 : i32 to index
        %parallel_loop3A_598 = arith.constant 0 : index
        %parallel_loop3A_599 = tpu.vector_load %arg8[%parallel_loop3A_596, %parallel_loop3A_597, %parallel_loop3A_598] {strides = array<i32>} : memref<2x128x64xf32, #tpu.memory_space<vmem>>, vector<1x1x16xf32>,
        %parallel_loop3A_600 = vector.shape_cast %parallel_loop3A_599 : vector<1x1x16xf32> to vector<16xf32>
        %parallel_loop3A_601 = vector.shape_cast %parallel_loop3A_594 : vector<16xf32> to vector<1x1x16xf32>
        tpu.vector_store %arg8[%parallel_loop3A_596, %parallel_loop3A_597, %parallel_loop3A_598], %parallel_loop3A_601 {strides = array<i32>} : memref<2x128x64xf32, #tpu.memory_space<vmem>>, vector<1x1x16xf32>,
        %parallel_loop3A_602 = arith.constant 0 : i32
        %parallel_loop3A_603 = arith.index_cast %parallel_loop3A_602 : i32 to index
        %parallel_loop3A_604 = arith.index_cast %parallel_loop3A_588 : i32 to index
        %parallel_loop3A_605 = arith.constant 16 : index
        %parallel_loop3A_606 = tpu.vector_load %arg7[%parallel_loop3A_603, %parallel_loop3A_604, %parallel_loop3A_605] {strides = array<i32>} : memref<2x128x128xf32, #tpu.memory_space<vmem>>, vector<1x1x16xf32>,
        %parallel_loop3A_607 = vector.shape_cast %parallel_loop3A_606 : vector<1x1x16xf32> to vector<16xf32>
        %parallel_loop3A_608 = arith.constant 0 : i32
        %parallel_loop3A_609 = arith.index_cast %parallel_loop3A_608 : i32 to index
        %parallel_loop3A_610 = arith.index_cast %parallel_loop3A_588 : i32 to index
        %parallel_loop3A_611 = arith.constant 16 : index
        %parallel_loop3A_612 = tpu.vector_load %arg8[%parallel_loop3A_609, %parallel_loop3A_610, %parallel_loop3A_611] {strides = array<i32>} : memref<2x128x64xf32, #tpu.memory_space<vmem>>, vector<1x1x16xf32>,
        %parallel_loop3A_613 = vector.shape_cast %parallel_loop3A_612 : vector<1x1x16xf32> to vector<16xf32>
        %parallel_loop3A_614 = vector.shape_cast %parallel_loop3A_607 : vector<16xf32> to vector<1x1x16xf32>
        tpu.vector_store %arg8[%parallel_loop3A_609, %parallel_loop3A_610, %parallel_loop3A_611], %parallel_loop3A_614 {strides = array<i32>} : memref<2x128x64xf32, #tpu.memory_space<vmem>>, vector<1x1x16xf32>,
        %parallel_loop3A_615 = arith.constant 0 : i32
        %parallel_loop3A_616 = arith.index_cast %parallel_loop3A_615 : i32 to index
        %parallel_loop3A_617 = arith.index_cast %parallel_loop3A_588 : i32 to index
        %parallel_loop3A_618 = arith.constant 32 : index
        %parallel_loop3A_619 = tpu.vector_load %arg7[%parallel_loop3A_616, %parallel_loop3A_617, %parallel_loop3A_618] {strides = array<i32>} : memref<2x128x128xf32, #tpu.memory_space<vmem>>, vector<1x1x16xf32>,
        %parallel_loop3A_620 = vector.shape_cast %parallel_loop3A_619 : vector<1x1x16xf32> to vector<16xf32>
        %parallel_loop3A_621 = arith.constant 0 : i32
        %parallel_loop3A_622 = arith.index_cast %parallel_loop3A_621 : i32 to index
        %parallel_loop3A_623 = arith.index_cast %parallel_loop3A_588 : i32 to index
        %parallel_loop3A_624 = arith.constant 32 : index
        %parallel_loop3A_625 = tpu.vector_load %arg8[%parallel_loop3A_622, %parallel_loop3A_623, %parallel_loop3A_624] {strides = array<i32>} : memref<2x128x64xf32, #tpu.memory_space<vmem>>, vector<1x1x16xf32>,
        %parallel_loop3A_626 = vector.shape_cast %parallel_loop3A_625 : vector<1x1x16xf32> to vector<16xf32>
        %parallel_loop3A_627 = vector.shape_cast %parallel_loop3A_620 : vector<16xf32> to vector<1x1x16xf32>
        tpu.vector_store %arg8[%parallel_loop3A_622, %parallel_loop3A_623, %parallel_loop3A_624], %parallel_loop3A_627 {strides = array<i32>} : memref<2x128x64xf32, #tpu.memory_space<vmem>>, vector<1x1x16xf32>,
        %parallel_loop3A_628 = arith.constant 0 : i32
        %parallel_loop3A_629 = arith.index_cast %parallel_loop3A_628 : i32 to index
        %parallel_loop3A_630 = arith.index_cast %parallel_loop3A_588 : i32 to index
        %parallel_loop3A_631 = arith.constant 48 : index
        %parallel_loop3A_632 = tpu.vector_load %arg7[%parallel_loop3A_629, %parallel_loop3A_630, %parallel_loop3A_631] {strides = array<i32>} : memref<2x128x128xf32, #tpu.memory_space<vmem>>, vector<1x1x16xf32>,
        %parallel_loop3A_633 = vector.shape_cast %parallel_loop3A_632 : vector<1x1x16xf32> to vector<16xf32>
        %parallel_loop3A_634 = arith.constant 0 : i32
        %parallel_loop3A_635 = arith.index_cast %parallel_loop3A_634 : i32 to index
        %parallel_loop3A_636 = arith.index_cast %parallel_loop3A_588 : i32 to index
        %parallel_loop3A_637 = arith.constant 48 : index
        %parallel_loop3A_638 = tpu.vector_load %arg8[%parallel_loop3A_635, %parallel_loop3A_636, %parallel_loop3A_637] {strides = array<i32>} : memref<2x128x64xf32, #tpu.memory_space<vmem>>, vector<1x1x16xf32>,
        %parallel_loop3A_639 = vector.shape_cast %parallel_loop3A_638 : vector<1x1x16xf32> to vector<16xf32>
        %parallel_loop3A_640 = vector.shape_cast %parallel_loop3A_633 : vector<16xf32> to vector<1x1x16xf32>
        tpu.vector_store %arg8[%parallel_loop3A_635, %parallel_loop3A_636, %parallel_loop3A_637], %parallel_loop3A_640 {strides = array<i32>} : memref<2x128x64xf32, #tpu.memory_space<vmem>>, vector<1x1x16xf32>,
      } {sc.loop_unroll_factor = 4 : i64, sc.parallel_access}
      %mul3A_308 = arith.constant 128 : i32
      %mul3A_309 = arith.muli %add3A_76, %mul3A_308 : i32
      %add3A_310 = arith.addi %mul3A_2, %mul3A_309 : i32
      %dma_start3A_311 = arith.constant 0 : i32
      %dma_start3A_312 = arith.constant 0 : i32
      %dma_start3A_313 = arith.constant 0 : i32
      %dma_start3A_314 = arith.constant 0 : i32
      %dma_start3A_315 = tpu.memref_slice %arg8[%dma_start3A_311, %dma_start3A_313, %dma_start3A_314] : memref<2x128x64xf32, #tpu.memory_space<vmem>> -> memref<1x128x64xf32, #tpu.memory_space<vmem>>
      %dma_start3A_316 = tpu.memref_squeeze %dma_start3A_315 : memref<1x128x64xf32, #tpu.memory_space<vmem>> -> memref<128x64xf32, #tpu.memory_space<vmem>>
      %dma_start3A_317 = arith.constant 0 : i32
      %dma_start3A_318 = tpu.memref_slice %arg4[%add3A_310, %dma_start3A_317] : memref<4194304x64xf32, #tpu.memory_space<hbm>> -> memref<128x64xf32, #tpu.memory_space<hbm>>
      %dma_start3A_319 = tpu.memref_slice %arg12[%dma_start3A_312] : memref<2x!tpu.dma_semaphore, #tpu.memory_space<semaphore_mem>> -> memref<1x!tpu.dma_semaphore, #tpu.memory_space<semaphore_mem>>
      %dma_start3A_320 = tpu.memref_squeeze %dma_start3A_319 : memref<1x!tpu.dma_semaphore, #tpu.memory_space<semaphore_mem>> -> memref<!tpu.dma_semaphore, #tpu.memory_space<semaphore_mem>>
      %dma_start3A_321 = arith.constant 0 : i32
      %dma_start3A_322 = tpu.memref_slice %arg4[%add3A_310, %dma_start3A_321] : memref<4194304x64xf32, #tpu.memory_space<hbm>> -> memref<128x64xf32, #tpu.memory_space<hbm>>
      %dma_start3A_323 = arith.constant 0 : i32
      %dma_start3A_324 = arith.constant 0 : i32
      %dma_start3A_325 = tpu.memref_slice %arg8[%dma_start3A_311, %dma_start3A_323, %dma_start3A_324] : memref<2x128x64xf32, #tpu.memory_space<vmem>> -> memref<1x128x64xf32, #tpu.memory_space<vmem>>
      %dma_start3A_326 = tpu.memref_squeeze %dma_start3A_325 : memref<1x128x64xf32, #tpu.memory_space<vmem>> -> memref<128x64xf32, #tpu.memory_space<vmem>>
      tpu.enqueue_dma source(%dma_start3A_326 : memref<128x64xf32, #tpu.memory_space<vmem>>) target(%dma_start3A_322 : memref<128x64xf32, #tpu.memory_space<hbm>>) target_semaphore(%dma_start3A_320 : memref<!tpu.dma_semaphore, #tpu.memory_space<semaphore_mem>>)
      %mul3A_327 = arith.constant 2 : i32
      %mul3A_328 = arith.muli %scan3A_72, %mul3A_327 : i32
      %add3A_329 = arith.constant 1 : i32
      %add3A_330 = arith.addi %mul3A_328, %add3A_329 : i32
      %mul3A_331 = arith.constant 128 : i32
      %mul3A_332 = arith.muli %add3A_330, %mul3A_331 : i32
      %add3A_333 = arith.addi %mul3A_2, %mul3A_332 : i32
      %dma_wait3A_334 = arith.constant 1 : i32
      %dma_wait3A_335 = arith.constant 1 : i32
      %dma_wait3A_336 = arith.constant 0 : i32
      %dma_wait3A_337 = tpu.memref_slice %arg5[%dma_wait3A_334, %dma_wait3A_336] : memref<2x128xi32, #tpu.memory_space<vmem>> -> memref<1x128xi32, #tpu.memory_space<vmem>>
      %dma_wait3A_338 = tpu.memref_squeeze %dma_wait3A_337 : memref<1x128xi32, #tpu.memory_space<vmem>> -> memref<128xi32, #tpu.memory_space<vmem>>
      %dma_wait3A_339 = tpu.memref_slice %arg2[%add3A_333] : memref<4194304xi32, #tpu.memory_space<hbm>> -> memref<128xi32, #tpu.memory_space<hbm>>
      %dma_wait3A_340 = tpu.memref_slice %arg10[%dma_wait3A_335] : memref<2x!tpu.dma_semaphore, #tpu.memory_space<semaphore_mem>> -> memref<1x!tpu.dma_semaphore, #tpu.memory_space<semaphore_mem>>
      %dma_wait3A_341 = tpu.memref_squeeze %dma_wait3A_340 : memref<1x!tpu.dma_semaphore, #tpu.memory_space<semaphore_mem>> -> memref<!tpu.dma_semaphore, #tpu.memory_space<semaphore_mem>>
      %dma_wait3A_342 = arith.constant 0 : i32
      %dma_wait3A_343 = tpu.memref_slice %arg5[%dma_wait3A_334, %dma_wait3A_342] : memref<2x128xi32, #tpu.memory_space<vmem>> -> memref<1x128xi32, #tpu.memory_space<vmem>>
      %dma_wait3A_344 = tpu.memref_squeeze %dma_wait3A_343 : memref<1x128xi32, #tpu.memory_space<vmem>> -> memref<128xi32, #tpu.memory_space<vmem>>
      %dma_wait3A_345 = tpu.memref_slice %arg2[%add3A_333] : memref<4194304xi32, #tpu.memory_space<hbm>> -> memref<128xi32, #tpu.memory_space<hbm>>
      tpu.wait_dma2 semaphore(%dma_wait3A_341 : memref<!tpu.dma_semaphore, #tpu.memory_space<semaphore_mem>>) src(%dma_wait3A_345 : memref<128xi32, #tpu.memory_space<hbm>>) dst(%dma_wait3A_344 : memref<128xi32, #tpu.memory_space<vmem>>)
      %get3A_346 = arith.constant 1 : i32
      %get3A_347 = arith.index_cast %get3A_346 : i32 to index
      %get3A_348 = arith.constant 0 : index
      %get3A_349 = tpu.vector_load %arg5[%get3A_347, %get3A_348] {strides = array<i32>} : memref<2x128xi32, #tpu.memory_space<vmem>>, vector<1x16xi32>,
      %get3A_350 = vector.shape_cast %get3A_349 : vector<1x16xi32> to vector<16xi32>
      %min3A_351 = arith.constant 2047 : i32
      %min3A_352 = vector.broadcast %min3A_351 : i32 to vector<16xi32>
      %min3A_353 = arith.minsi %get3A_350, %min3A_352 : vector<16xi32>
      %max3A_354 = arith.constant -2048 : i32
      %max3A_355 = vector.broadcast %max3A_354 : i32 to vector<16xi32>
      %max3A_356 = arith.maxsi %min3A_353, %max3A_355 : vector<16xi32>
      %add3A_357 = arith.constant 2048 : i32
      %add3A_358 = vector.broadcast %add3A_357 : i32 to vector<16xi32>
      %add3A_359 = arith.addi %max3A_356, %add3A_358 : vector<16xi32>
      %swap3A_360 = arith.constant 1 : i32
      %swap3A_361 = arith.constant 0 : i32
      %swap3A_362 = arith.index_cast %swap3A_360 : i32 to index
      %swap3A_363 = arith.index_cast %swap3A_361 : i32 to index
      %swap3A_364 = arith.constant 0 : index
      %swap3A_365 = tpu.vector_load %arg6[%swap3A_362, %swap3A_363, %swap3A_364] {strides = array<i32>} : memref<2x1x128xi32, #tpu.memory_space<vmem>>, vector<1x1x16xi32>,
      %swap3A_366 = vector.shape_cast %swap3A_365 : vector<1x1x16xi32> to vector<16xi32>
      %swap3A_367 = vector.shape_cast %add3A_359 : vector<16xi32> to vector<1x1x16xi32>
      tpu.vector_store %arg6[%swap3A_362, %swap3A_363, %swap3A_364], %swap3A_367 {strides = array<i32>} : memref<2x1x128xi32, #tpu.memory_space<vmem>>, vector<1x1x16xi32>,
      %get3A_368 = arith.constant 1 : i32
      %get3A_369 = arith.index_cast %get3A_368 : i32 to index
      %get3A_370 = arith.constant 16 : index
      %get3A_371 = tpu.vector_load %arg5[%get3A_369, %get3A_370] {strides = array<i32>} : memref<2x128xi32, #tpu.memory_space<vmem>>, vector<1x16xi32>,
      %get3A_372 = vector.shape_cast %get3A_371 : vector<1x16xi32> to vector<16xi32>
      %min3A_373 = arith.constant 2047 : i32
      %min3A_374 = vector.broadcast %min3A_373 : i32 to vector<16xi32>
      %min3A_375 = arith.minsi %get3A_372, %min3A_374 : vector<16xi32>
      %max3A_376 = arith.constant -2048 : i32
      %max3A_377 = vector.broadcast %max3A_376 : i32 to vector<16xi32>
      %max3A_378 = arith.maxsi %min3A_375, %max3A_377 : vector<16xi32>
      %add3A_379 = arith.constant 2048 : i32
      %add3A_380 = vector.broadcast %add3A_379 : i32 to vector<16xi32>
      %add3A_381 = arith.addi %max3A_378, %add3A_380 : vector<16xi32>
      %swap3A_382 = arith.constant 1 : i32
      %swap3A_383 = arith.constant 0 : i32
      %swap3A_384 = arith.index_cast %swap3A_382 : i32 to index
      %swap3A_385 = arith.index_cast %swap3A_383 : i32 to index
      %swap3A_386 = arith.constant 16 : index
      %swap3A_387 = tpu.vector_load %arg6[%swap3A_384, %swap3A_385, %swap3A_386] {strides = array<i32>} : memref<2x1x128xi32, #tpu.memory_space<vmem>>, vector<1x1x16xi32>,
      %swap3A_388 = vector.shape_cast %swap3A_387 : vector<1x1x16xi32> to vector<16xi32>
      %swap3A_389 = vector.shape_cast %add3A_381 : vector<16xi32> to vector<1x1x16xi32>
      tpu.vector_store %arg6[%swap3A_384, %swap3A_385, %swap3A_386], %swap3A_389 {strides = array<i32>} : memref<2x1x128xi32, #tpu.memory_space<vmem>>, vector<1x1x16xi32>,
      %get3A_390 = arith.constant 1 : i32
      %get3A_391 = arith.index_cast %get3A_390 : i32 to index
      %get3A_392 = arith.constant 32 : index
      %get3A_393 = tpu.vector_load %arg5[%get3A_391, %get3A_392] {strides = array<i32>} : memref<2x128xi32, #tpu.memory_space<vmem>>, vector<1x16xi32>,
      %get3A_394 = vector.shape_cast %get3A_393 : vector<1x16xi32> to vector<16xi32>
      %min3A_395 = arith.constant 2047 : i32
      %min3A_396 = vector.broadcast %min3A_395 : i32 to vector<16xi32>
      %min3A_397 = arith.minsi %get3A_394, %min3A_396 : vector<16xi32>
      %max3A_398 = arith.constant -2048 : i32
      %max3A_399 = vector.broadcast %max3A_398 : i32 to vector<16xi32>
      %max3A_400 = arith.maxsi %min3A_397, %max3A_399 : vector<16xi32>
      %add3A_401 = arith.constant 2048 : i32
      %add3A_402 = vector.broadcast %add3A_401 : i32 to vector<16xi32>
      %add3A_403 = arith.addi %max3A_400, %add3A_402 : vector<16xi32>
      %swap3A_404 = arith.constant 1 : i32
      %swap3A_405 = arith.constant 0 : i32
      %swap3A_406 = arith.index_cast %swap3A_404 : i32 to index
      %swap3A_407 = arith.index_cast %swap3A_405 : i32 to index
      %swap3A_408 = arith.constant 32 : index
      %swap3A_409 = tpu.vector_load %arg6[%swap3A_406, %swap3A_407, %swap3A_408] {strides = array<i32>} : memref<2x1x128xi32, #tpu.memory_space<vmem>>, vector<1x1x16xi32>,
      %swap3A_410 = vector.shape_cast %swap3A_409 : vector<1x1x16xi32> to vector<16xi32>
      %swap3A_411 = vector.shape_cast %add3A_403 : vector<16xi32> to vector<1x1x16xi32>
      tpu.vector_store %arg6[%swap3A_406, %swap3A_407, %swap3A_408], %swap3A_411 {strides = array<i32>} : memref<2x1x128xi32, #tpu.memory_space<vmem>>, vector<1x1x16xi32>,
      %get3A_412 = arith.constant 1 : i32
      %get3A_413 = arith.index_cast %get3A_412 : i32 to index
      %get3A_414 = arith.constant 48 : index
      %get3A_415 = tpu.vector_load %arg5[%get3A_413, %get3A_414] {strides = array<i32>} : memref<2x128xi32, #tpu.memory_space<vmem>>, vector<1x16xi32>,
      %get3A_416 = vector.shape_cast %get3A_415 : vector<1x16xi32> to vector<16xi32>
      %min3A_417 = arith.constant 2047 : i32
      %min3A_418 = vector.broadcast %min3A_417 : i32 to vector<16xi32>
      %min3A_419 = arith.minsi %get3A_416, %min3A_418 : vector<16xi32>
      %max3A_420 = arith.constant -2048 : i32
      %max3A_421 = vector.broadcast %max3A_420 : i32 to vector<16xi32>
      %max3A_422 = arith.maxsi %min3A_419, %max3A_421 : vector<16xi32>
      %add3A_423 = arith.constant 2048 : i32
      %add3A_424 = vector.broadcast %add3A_423 : i32 to vector<16xi32>
      %add3A_425 = arith.addi %max3A_422, %add3A_424 : vector<16xi32>
      %swap3A_426 = arith.constant 1 : i32
      %swap3A_427 = arith.constant 0 : i32
      %swap3A_428 = arith.index_cast %swap3A_426 : i32 to index
      %swap3A_429 = arith.index_cast %swap3A_427 : i32 to index
      %swap3A_430 = arith.constant 48 : index
      %swap3A_431 = tpu.vector_load %arg6[%swap3A_428, %swap3A_429, %swap3A_430] {strides = array<i32>} : memref<2x1x128xi32, #tpu.memory_space<vmem>>, vector<1x1x16xi32>,
      %swap3A_432 = vector.shape_cast %swap3A_431 : vector<1x1x16xi32> to vector<16xi32>
      %swap3A_433 = vector.shape_cast %add3A_425 : vector<16xi32> to vector<1x1x16xi32>
      tpu.vector_store %arg6[%swap3A_428, %swap3A_429, %swap3A_430], %swap3A_433 {strides = array<i32>} : memref<2x1x128xi32, #tpu.memory_space<vmem>>, vector<1x1x16xi32>,
      %get3A_434 = arith.constant 1 : i32
      %get3A_435 = arith.index_cast %get3A_434 : i32 to index
      %get3A_436 = arith.constant 64 : index
      %get3A_437 = tpu.vector_load %arg5[%get3A_435, %get3A_436] {strides = array<i32>} : memref<2x128xi32, #tpu.memory_space<vmem>>, vector<1x16xi32>,
      %get3A_438 = vector.shape_cast %get3A_437 : vector<1x16xi32> to vector<16xi32>
      %min3A_439 = arith.constant 2047 : i32
      %min3A_440 = vector.broadcast %min3A_439 : i32 to vector<16xi32>
      %min3A_441 = arith.minsi %get3A_438, %min3A_440 : vector<16xi32>
      %max3A_442 = arith.constant -2048 : i32
      %max3A_443 = vector.broadcast %max3A_442 : i32 to vector<16xi32>
      %max3A_444 = arith.maxsi %min3A_441, %max3A_443 : vector<16xi32>
      %add3A_445 = arith.constant 2048 : i32
      %add3A_446 = vector.broadcast %add3A_445 : i32 to vector<16xi32>
      %add3A_447 = arith.addi %max3A_444, %add3A_446 : vector<16xi32>
      %swap3A_448 = arith.constant 1 : i32
      %swap3A_449 = arith.constant 0 : i32
      %swap3A_450 = arith.index_cast %swap3A_448 : i32 to index
      %swap3A_451 = arith.index_cast %swap3A_449 : i32 to index
      %swap3A_452 = arith.constant 64 : index
      %swap3A_453 = tpu.vector_load %arg6[%swap3A_450, %swap3A_451, %swap3A_452] {strides = array<i32>} : memref<2x1x128xi32, #tpu.memory_space<vmem>>, vector<1x1x16xi32>,
      %swap3A_454 = vector.shape_cast %swap3A_453 : vector<1x1x16xi32> to vector<16xi32>
      %swap3A_455 = vector.shape_cast %add3A_447 : vector<16xi32> to vector<1x1x16xi32>
      tpu.vector_store %arg6[%swap3A_450, %swap3A_451, %swap3A_452], %swap3A_455 {strides = array<i32>} : memref<2x1x128xi32, #tpu.memory_space<vmem>>, vector<1x1x16xi32>,
      %get3A_456 = arith.constant 1 : i32
      %get3A_457 = arith.index_cast %get3A_456 : i32 to index
      %get3A_458 = arith.constant 80 : index
      %get3A_459 = tpu.vector_load %arg5[%get3A_457, %get3A_458] {strides = array<i32>} : memref<2x128xi32, #tpu.memory_space<vmem>>, vector<1x16xi32>,
      %get3A_460 = vector.shape_cast %get3A_459 : vector<1x16xi32> to vector<16xi32>
      %min3A_461 = arith.constant 2047 : i32
      %min3A_462 = vector.broadcast %min3A_461 : i32 to vector<16xi32>
      %min3A_463 = arith.minsi %get3A_460, %min3A_462 : vector<16xi32>
      %max3A_464 = arith.constant -2048 : i32
      %max3A_465 = vector.broadcast %max3A_464 : i32 to vector<16xi32>
      %max3A_466 = arith.maxsi %min3A_463, %max3A_465 : vector<16xi32>
      %add3A_467 = arith.constant 2048 : i32
      %add3A_468 = vector.broadcast %add3A_467 : i32 to vector<16xi32>
      %add3A_469 = arith.addi %max3A_466, %add3A_468 : vector<16xi32>
      %swap3A_470 = arith.constant 1 : i32
      %swap3A_471 = arith.constant 0 : i32
      %swap3A_472 = arith.index_cast %swap3A_470 : i32 to index
      %swap3A_473 = arith.index_cast %swap3A_471 : i32 to index
      %swap3A_474 = arith.constant 80 : index
      %swap3A_475 = tpu.vector_load %arg6[%swap3A_472, %swap3A_473, %swap3A_474] {strides = array<i32>} : memref<2x1x128xi32, #tpu.memory_space<vmem>>, vector<1x1x16xi32>,
      %swap3A_476 = vector.shape_cast %swap3A_475 : vector<1x1x16xi32> to vector<16xi32>
      %swap3A_477 = vector.shape_cast %add3A_469 : vector<16xi32> to vector<1x1x16xi32>
      tpu.vector_store %arg6[%swap3A_472, %swap3A_473, %swap3A_474], %swap3A_477 {strides = array<i32>} : memref<2x1x128xi32, #tpu.memory_space<vmem>>, vector<1x1x16xi32>,
      %get3A_478 = arith.constant 1 : i32
      %get3A_479 = arith.index_cast %get3A_478 : i32 to index
      %get3A_480 = arith.constant 96 : index
      %get3A_481 = tpu.vector_load %arg5[%get3A_479, %get3A_480] {strides = array<i32>} : memref<2x128xi32, #tpu.memory_space<vmem>>, vector<1x16xi32>,
      %get3A_482 = vector.shape_cast %get3A_481 : vector<1x16xi32> to vector<16xi32>
      %min3A_483 = arith.constant 2047 : i32
      %min3A_484 = vector.broadcast %min3A_483 : i32 to vector<16xi32>
      %min3A_485 = arith.minsi %get3A_482, %min3A_484 : vector<16xi32>
      %max3A_486 = arith.constant -2048 : i32
      %max3A_487 = vector.broadcast %max3A_486 : i32 to vector<16xi32>
      %max3A_488 = arith.maxsi %min3A_485, %max3A_487 : vector<16xi32>
      %add3A_489 = arith.constant 2048 : i32
      %add3A_490 = vector.broadcast %add3A_489 : i32 to vector<16xi32>
      %add3A_491 = arith.addi %max3A_488, %add3A_490 : vector<16xi32>
      %swap3A_492 = arith.constant 1 : i32
      %swap3A_493 = arith.constant 0 : i32
      %swap3A_494 = arith.index_cast %swap3A_492 : i32 to index
      %swap3A_495 = arith.index_cast %swap3A_493 : i32 to index
      %swap3A_496 = arith.constant 96 : index
      %swap3A_497 = tpu.vector_load %arg6[%swap3A_494, %swap3A_495, %swap3A_496] {strides = array<i32>} : memref<2x1x128xi32, #tpu.memory_space<vmem>>, vector<1x1x16xi32>,
      %swap3A_498 = vector.shape_cast %swap3A_497 : vector<1x1x16xi32> to vector<16xi32>
      %swap3A_499 = vector.shape_cast %add3A_491 : vector<16xi32> to vector<1x1x16xi32>
      tpu.vector_store %arg6[%swap3A_494, %swap3A_495, %swap3A_496], %swap3A_499 {strides = array<i32>} : memref<2x1x128xi32, #tpu.memory_space<vmem>>, vector<1x1x16xi32>,
      %get3A_500 = arith.constant 1 : i32
      %get3A_501 = arith.index_cast %get3A_500 : i32 to index
      %get3A_502 = arith.constant 112 : index
      %get3A_503 = tpu.vector_load %arg5[%get3A_501, %get3A_502] {strides = array<i32>} : memref<2x128xi32, #tpu.memory_space<vmem>>, vector<1x16xi32>,
      %get3A_504 = vector.shape_cast %get3A_503 : vector<1x16xi32> to vector<16xi32>
      %min3A_505 = arith.constant 2047 : i32
      %min3A_506 = vector.broadcast %min3A_505 : i32 to vector<16xi32>
      %min3A_507 = arith.minsi %get3A_504, %min3A_506 : vector<16xi32>
      %max3A_508 = arith.constant -2048 : i32
      %max3A_509 = vector.broadcast %max3A_508 : i32 to vector<16xi32>
      %max3A_510 = arith.maxsi %min3A_507, %max3A_509 : vector<16xi32>
      %add3A_511 = arith.constant 2048 : i32
      %add3A_512 = vector.broadcast %add3A_511 : i32 to vector<16xi32>
      %add3A_513 = arith.addi %max3A_510, %add3A_512 : vector<16xi32>
      %swap3A_514 = arith.constant 1 : i32
      %swap3A_515 = arith.constant 0 : i32
      %swap3A_516 = arith.index_cast %swap3A_514 : i32 to index
      %swap3A_517 = arith.index_cast %swap3A_515 : i32 to index
      %swap3A_518 = arith.constant 112 : index
      %swap3A_519 = tpu.vector_load %arg6[%swap3A_516, %swap3A_517, %swap3A_518] {strides = array<i32>} : memref<2x1x128xi32, #tpu.memory_space<vmem>>, vector<1x1x16xi32>,
      %swap3A_520 = vector.shape_cast %swap3A_519 : vector<1x1x16xi32> to vector<16xi32>
      %swap3A_521 = vector.shape_cast %add3A_513 : vector<16xi32> to vector<1x1x16xi32>
      tpu.vector_store %arg6[%swap3A_516, %swap3A_517, %swap3A_518], %swap3A_521 {strides = array<i32>} : memref<2x1x128xi32, #tpu.memory_space<vmem>>, vector<1x1x16xi32>,
      %gt3A_522 = arith.constant 0 : i32
      %gt3A_523 = arith.cmpi sgt, %scan3A_72, %gt3A_522 : i32
      %convert_element_type3A_524 = arith.extui %gt3A_523 : i1 to i32
      %cond3A_525 = arith.constant 0 : i32
      %cond3A_526 = arith.cmpi ne, %convert_element_type3A_524, %cond3A_525 : i32
      scf.if %cond3A_526 {
        %sub3A = arith.constant 2 : i32
        %sub3A_588 = arith.subi %add3A_330, %sub3A : i32
        %mul3A_589 = arith.constant 128 : i32
        %mul3A_590 = arith.muli %sub3A_588, %mul3A_589 : i32
        %add3A_591 = arith.addi %mul3A_2, %mul3A_590 : i32
        %dma_wait3A_592 = arith.constant 1 : i32
        %dma_wait3A_593 = arith.constant 1 : i32
        %dma_wait3A_594 = arith.constant 0 : i32
        %dma_wait3A_595 = arith.constant 0 : i32
        %dma_wait3A_596 = tpu.memref_slice %arg8[%dma_wait3A_592, %dma_wait3A_594, %dma_wait3A_595] : memref<2x128x64xf32, #tpu.memory_space<vmem>> -> memref<1x128x64xf32, #tpu.memory_space<vmem>>
        %dma_wait3A_597 = tpu.memref_squeeze %dma_wait3A_596 : memref<1x128x64xf32, #tpu.memory_space<vmem>> -> memref<128x64xf32, #tpu.memory_space<vmem>>
        %dma_wait3A_598 = arith.constant 0 : i32
        %dma_wait3A_599 = tpu.memref_slice %arg4[%add3A_591, %dma_wait3A_598] : memref<4194304x64xf32, #tpu.memory_space<hbm>> -> memref<128x64xf32, #tpu.memory_space<hbm>>
        %dma_wait3A_600 = tpu.memref_slice %arg12[%dma_wait3A_593] : memref<2x!tpu.dma_semaphore, #tpu.memory_space<semaphore_mem>> -> memref<1x!tpu.dma_semaphore, #tpu.memory_space<semaphore_mem>>
        %dma_wait3A_601 = tpu.memref_squeeze %dma_wait3A_600 : memref<1x!tpu.dma_semaphore, #tpu.memory_space<semaphore_mem>> -> memref<!tpu.dma_semaphore, #tpu.memory_space<semaphore_mem>>
        %dma_wait3A_602 = arith.constant 0 : i32
        %dma_wait3A_603 = tpu.memref_slice %arg4[%add3A_591, %dma_wait3A_602] : memref<4194304x64xf32, #tpu.memory_space<hbm>> -> memref<128x64xf32, #tpu.memory_space<hbm>>
        %dma_wait3A_604 = arith.constant 0 : i32
        %dma_wait3A_605 = arith.constant 0 : i32
        %dma_wait3A_606 = tpu.memref_slice %arg8[%dma_wait3A_592, %dma_wait3A_604, %dma_wait3A_605] : memref<2x128x64xf32, #tpu.memory_space<vmem>> -> memref<1x128x64xf32, #tpu.memory_space<vmem>>
        %dma_wait3A_607 = tpu.memref_squeeze %dma_wait3A_606 : memref<1x128x64xf32, #tpu.memory_space<vmem>> -> memref<128x64xf32, #tpu.memory_space<vmem>>
        tpu.wait_dma2 semaphore(%dma_wait3A_601 : memref<!tpu.dma_semaphore, #tpu.memory_space<semaphore_mem>>) src(%dma_wait3A_607 : memref<128x64xf32, #tpu.memory_space<vmem>>) dst(%dma_wait3A_603 : memref<128x64xf32, #tpu.memory_space<hbm>>)
      } else {
      }
      %dma_start3A_527 = arith.constant 1 : i32
      %dma_start3A_528 = arith.constant 0 : i32
      %dma_start3A_529 = arith.constant 1 : i32
      %dma_start3A_530 = arith.constant 1 : i32
      %dma_start3A_531 = arith.constant 0 : i32
      %dma_start3A_532 = arith.constant 0 : i32
      %dma_start3A_533 = tpu.memref_slice %arg7[%dma_start3A_529, %dma_start3A_531, %dma_start3A_532] : memref<2x128x128xf32, #tpu.memory_space<vmem>> -> memref<1x128x128xf32, #tpu.memory_space<vmem>>
      %dma_start3A_534 = tpu.memref_squeeze %dma_start3A_533 : memref<1x128x128xf32, #tpu.memory_space<vmem>> -> memref<128x128xf32, #tpu.memory_space<vmem>>
      %dma_start3A_535 = arith.constant 0 : i32
      %dma_start3A_536 = tpu.memref_slice %arg6[%dma_start3A_527, %dma_start3A_528, %dma_start3A_535] : memref<2x1x128xi32, #tpu.memory_space<vmem>> -> memref<1x1x128xi32, #tpu.memory_space<vmem>>
      %dma_start3A_537 = tpu.memref_squeeze %dma_start3A_536 : memref<1x1x128xi32, #tpu.memory_space<vmem>> -> memref<128xi32, #tpu.memory_space<vmem>>
      %dma_start3A_538 = arith.constant 0 : i32
      %dma_start3A_539 = arith.constant 0 : i32
      %dma_start3A_540 = tpu.memref_slice %arg9[%dma_start3A_538, %dma_start3A_539] : memref<4096x128xf32, #tpu.memory_space<vmem_shared>> -> memref<4096x128xf32, #tpu.memory_space<vmem_shared>>
      %dma_start3A_541 = tpu.memref_slice %arg11[%dma_start3A_530] : memref<2x!tpu.dma_semaphore, #tpu.memory_space<semaphore_mem>> -> memref<1x!tpu.dma_semaphore, #tpu.memory_space<semaphore_mem>>
      %dma_start3A_542 = tpu.memref_squeeze %dma_start3A_541 : memref<1x!tpu.dma_semaphore, #tpu.memory_space<semaphore_mem>> -> memref<!tpu.dma_semaphore, #tpu.memory_space<semaphore_mem>>
      tpu.enqueue_indirect_dma source(%dma_start3A_540 : memref<4096x128xf32, #tpu.memory_space<vmem_shared>>) target(%dma_start3A_534 : memref<128x128xf32, #tpu.memory_space<vmem>>) offsets(%dma_start3A_537 : memref<128xi32, #tpu.memory_space<vmem>>) semaphore(%dma_start3A_542 : memref<!tpu.dma_semaphore, #tpu.memory_space<semaphore_mem>>)
      %add3A_543 = arith.constant 2 : i32
      %add3A_544 = arith.addi %add3A_330, %add3A_543 : i32
      %lt3A_545 = arith.constant 1024 : i32
      %lt3A_546 = arith.cmpi slt, %add3A_544, %lt3A_545 : i32
      %convert_element_type3A_547 = arith.extui %lt3A_546 : i1 to i32
      %cond3A_548 = arith.constant 0 : i32
      %cond3A_549 = arith.cmpi ne, %convert_element_type3A_547, %cond3A_548 : i32
      scf.if %cond3A_549 {
        %add3A_588 = arith.constant 2 : i32
        %add3A_589 = arith.addi %add3A_330, %add3A_588 : i32
        %mul3A_590 = arith.constant 128 : i32
        %mul3A_591 = arith.muli %add3A_589, %mul3A_590 : i32
        %add3A_592 = arith.addi %mul3A_2, %mul3A_591 : i32
        %dma_start3A_593 = arith.constant 1 : i32
        %dma_start3A_594 = arith.constant 1 : i32
        %dma_start3A_595 = arith.constant 0 : i32
        %dma_start3A_596 = tpu.memref_slice %arg5[%dma_start3A_593, %dma_start3A_595] : memref<2x128xi32, #tpu.memory_space<vmem>> -> memref<1x128xi32, #tpu.memory_space<vmem>>
        %dma_start3A_597 = tpu.memref_squeeze %dma_start3A_596 : memref<1x128xi32, #tpu.memory_space<vmem>> -> memref<128xi32, #tpu.memory_space<vmem>>
        %dma_start3A_598 = tpu.memref_slice %arg2[%add3A_592] : memref<4194304xi32, #tpu.memory_space<hbm>> -> memref<128xi32, #tpu.memory_space<hbm>>
        %dma_start3A_599 = tpu.memref_slice %arg10[%dma_start3A_594] : memref<2x!tpu.dma_semaphore, #tpu.memory_space<semaphore_mem>> -> memref<1x!tpu.dma_semaphore, #tpu.memory_space<semaphore_mem>>
        %dma_start3A_600 = tpu.memref_squeeze %dma_start3A_599 : memref<1x!tpu.dma_semaphore, #tpu.memory_space<semaphore_mem>> -> memref<!tpu.dma_semaphore, #tpu.memory_space<semaphore_mem>>
        %dma_start3A_601 = arith.constant 0 : i32
        %dma_start3A_602 = tpu.memref_slice %arg5[%dma_start3A_593, %dma_start3A_601] : memref<2x128xi32, #tpu.memory_space<vmem>> -> memref<1x128xi32, #tpu.memory_space<vmem>>
        %dma_start3A_603 = tpu.memref_squeeze %dma_start3A_602 : memref<1x128xi32, #tpu.memory_space<vmem>> -> memref<128xi32, #tpu.memory_space<vmem>>
        %dma_start3A_604 = tpu.memref_slice %arg2[%add3A_592] : memref<4194304xi32, #tpu.memory_space<hbm>> -> memref<128xi32, #tpu.memory_space<hbm>>
        tpu.enqueue_dma source(%dma_start3A_604 : memref<128xi32, #tpu.memory_space<hbm>>) target(%dma_start3A_603 : memref<128xi32, #tpu.memory_space<vmem>>) target_semaphore(%dma_start3A_600 : memref<!tpu.dma_semaphore, #tpu.memory_space<semaphore_mem>>)
      } else {
      }
      %dma_wait3A_550 = arith.constant 1 : i32
      %dma_wait3A_551 = arith.constant 0 : i32
      %dma_wait3A_552 = arith.constant 1 : i32
      %dma_wait3A_553 = arith.constant 1 : i32
      %dma_wait3A_554 = arith.constant 0 : i32
      %dma_wait3A_555 = arith.constant 0 : i32
      %dma_wait3A_556 = tpu.memref_slice %arg7[%dma_wait3A_552, %dma_wait3A_554, %dma_wait3A_555] : memref<2x128x128xf32, #tpu.memory_space<vmem>> -> memref<1x128x128xf32, #tpu.memory_space<vmem>>
      %dma_wait3A_557 = tpu.memref_squeeze %dma_wait3A_556 : memref<1x128x128xf32, #tpu.memory_space<vmem>> -> memref<128x128xf32, #tpu.memory_space<vmem>>
      %dma_wait3A_558 = arith.constant 0 : i32
      %dma_wait3A_559 = tpu.memref_slice %arg6[%dma_wait3A_550, %dma_wait3A_551, %dma_wait3A_558] : memref<2x1x128xi32, #tpu.memory_space<vmem>> -> memref<1x1x128xi32, #tpu.memory_space<vmem>>
      %dma_wait3A_560 = tpu.memref_squeeze %dma_wait3A_559 : memref<1x1x128xi32, #tpu.memory_space<vmem>> -> memref<128xi32, #tpu.memory_space<vmem>>
      %dma_wait3A_561 = arith.constant 0 : i32
      %dma_wait3A_562 = arith.constant 0 : i32
      %dma_wait3A_563 = tpu.memref_slice %arg9[%dma_wait3A_561, %dma_wait3A_562] : memref<4096x128xf32, #tpu.memory_space<vmem_shared>> -> memref<4096x128xf32, #tpu.memory_space<vmem_shared>>
      %dma_wait3A_564 = tpu.memref_slice %arg11[%dma_wait3A_553] : memref<2x!tpu.dma_semaphore, #tpu.memory_space<semaphore_mem>> -> memref<1x!tpu.dma_semaphore, #tpu.memory_space<semaphore_mem>>
      %dma_wait3A_565 = tpu.memref_squeeze %dma_wait3A_564 : memref<1x!tpu.dma_semaphore, #tpu.memory_space<semaphore_mem>> -> memref<!tpu.dma_semaphore, #tpu.memory_space<semaphore_mem>>
      tpu.wait_indirect_dma semaphore(%dma_wait3A_565 : memref<!tpu.dma_semaphore, #tpu.memory_space<semaphore_mem>>) src(%dma_wait3A_563 : memref<4096x128xf32, #tpu.memory_space<vmem_shared>>) dst(%dma_wait3A_557 : memref<128x128xf32, #tpu.memory_space<vmem>>)
      %parallel_loop3A_566 = arith.constant 0 : i32
      %parallel_loop3A_567 = arith.constant 128 : i32
      %parallel_loop3A_568 = arith.constant 1 : i32
      scf.for %parallel_loop3A_588 = %parallel_loop3A_566 to %parallel_loop3A_567 step %parallel_loop3A_568  : i32 {
        %parallel_loop3A_589 = arith.constant 1 : i32
        %parallel_loop3A_590 = arith.index_cast %parallel_loop3A_589 : i32 to index
        %parallel_loop3A_591 = arith.index_cast %parallel_loop3A_588 : i32 to index
        %parallel_loop3A_592 = arith.constant 0 : index
        %parallel_loop3A_593 = tpu.vector_load %arg7[%parallel_loop3A_590, %parallel_loop3A_591, %parallel_loop3A_592] {strides = array<i32>} : memref<2x128x128xf32, #tpu.memory_space<vmem>>, vector<1x1x16xf32>,
        %parallel_loop3A_594 = vector.shape_cast %parallel_loop3A_593 : vector<1x1x16xf32> to vector<16xf32>
        %parallel_loop3A_595 = arith.constant 1 : i32
        %parallel_loop3A_596 = arith.index_cast %parallel_loop3A_595 : i32 to index
        %parallel_loop3A_597 = arith.index_cast %parallel_loop3A_588 : i32 to index
        %parallel_loop3A_598 = arith.constant 0 : index
        %parallel_loop3A_599 = tpu.vector_load %arg8[%parallel_loop3A_596, %parallel_loop3A_597, %parallel_loop3A_598] {strides = array<i32>} : memref<2x128x64xf32, #tpu.memory_space<vmem>>, vector<1x1x16xf32>,
        %parallel_loop3A_600 = vector.shape_cast %parallel_loop3A_599 : vector<1x1x16xf32> to vector<16xf32>
        %parallel_loop3A_601 = vector.shape_cast %parallel_loop3A_594 : vector<16xf32> to vector<1x1x16xf32>
        tpu.vector_store %arg8[%parallel_loop3A_596, %parallel_loop3A_597, %parallel_loop3A_598], %parallel_loop3A_601 {strides = array<i32>} : memref<2x128x64xf32, #tpu.memory_space<vmem>>, vector<1x1x16xf32>,
        %parallel_loop3A_602 = arith.constant 1 : i32
        %parallel_loop3A_603 = arith.index_cast %parallel_loop3A_602 : i32 to index
        %parallel_loop3A_604 = arith.index_cast %parallel_loop3A_588 : i32 to index
        %parallel_loop3A_605 = arith.constant 16 : index
        %parallel_loop3A_606 = tpu.vector_load %arg7[%parallel_loop3A_603, %parallel_loop3A_604, %parallel_loop3A_605] {strides = array<i32>} : memref<2x128x128xf32, #tpu.memory_space<vmem>>, vector<1x1x16xf32>,
        %parallel_loop3A_607 = vector.shape_cast %parallel_loop3A_606 : vector<1x1x16xf32> to vector<16xf32>
        %parallel_loop3A_608 = arith.constant 1 : i32
        %parallel_loop3A_609 = arith.index_cast %parallel_loop3A_608 : i32 to index
        %parallel_loop3A_610 = arith.index_cast %parallel_loop3A_588 : i32 to index
        %parallel_loop3A_611 = arith.constant 16 : index
        %parallel_loop3A_612 = tpu.vector_load %arg8[%parallel_loop3A_609, %parallel_loop3A_610, %parallel_loop3A_611] {strides = array<i32>} : memref<2x128x64xf32, #tpu.memory_space<vmem>>, vector<1x1x16xf32>,
        %parallel_loop3A_613 = vector.shape_cast %parallel_loop3A_612 : vector<1x1x16xf32> to vector<16xf32>
        %parallel_loop3A_614 = vector.shape_cast %parallel_loop3A_607 : vector<16xf32> to vector<1x1x16xf32>
        tpu.vector_store %arg8[%parallel_loop3A_609, %parallel_loop3A_610, %parallel_loop3A_611], %parallel_loop3A_614 {strides = array<i32>} : memref<2x128x64xf32, #tpu.memory_space<vmem>>, vector<1x1x16xf32>,
        %parallel_loop3A_615 = arith.constant 1 : i32
        %parallel_loop3A_616 = arith.index_cast %parallel_loop3A_615 : i32 to index
        %parallel_loop3A_617 = arith.index_cast %parallel_loop3A_588 : i32 to index
        %parallel_loop3A_618 = arith.constant 32 : index
        %parallel_loop3A_619 = tpu.vector_load %arg7[%parallel_loop3A_616, %parallel_loop3A_617, %parallel_loop3A_618] {strides = array<i32>} : memref<2x128x128xf32, #tpu.memory_space<vmem>>, vector<1x1x16xf32>,
        %parallel_loop3A_620 = vector.shape_cast %parallel_loop3A_619 : vector<1x1x16xf32> to vector<16xf32>
        %parallel_loop3A_621 = arith.constant 1 : i32
        %parallel_loop3A_622 = arith.index_cast %parallel_loop3A_621 : i32 to index
        %parallel_loop3A_623 = arith.index_cast %parallel_loop3A_588 : i32 to index
        %parallel_loop3A_624 = arith.constant 32 : index
        %parallel_loop3A_625 = tpu.vector_load %arg8[%parallel_loop3A_622, %parallel_loop3A_623, %parallel_loop3A_624] {strides = array<i32>} : memref<2x128x64xf32, #tpu.memory_space<vmem>>, vector<1x1x16xf32>,
        %parallel_loop3A_626 = vector.shape_cast %parallel_loop3A_625 : vector<1x1x16xf32> to vector<16xf32>
        %parallel_loop3A_627 = vector.shape_cast %parallel_loop3A_620 : vector<16xf32> to vector<1x1x16xf32>
        tpu.vector_store %arg8[%parallel_loop3A_622, %parallel_loop3A_623, %parallel_loop3A_624], %parallel_loop3A_627 {strides = array<i32>} : memref<2x128x64xf32, #tpu.memory_space<vmem>>, vector<1x1x16xf32>,
        %parallel_loop3A_628 = arith.constant 1 : i32
        %parallel_loop3A_629 = arith.index_cast %parallel_loop3A_628 : i32 to index
        %parallel_loop3A_630 = arith.index_cast %parallel_loop3A_588 : i32 to index
        %parallel_loop3A_631 = arith.constant 48 : index
        %parallel_loop3A_632 = tpu.vector_load %arg7[%parallel_loop3A_629, %parallel_loop3A_630, %parallel_loop3A_631] {strides = array<i32>} : memref<2x128x128xf32, #tpu.memory_space<vmem>>, vector<1x1x16xf32>,
        %parallel_loop3A_633 = vector.shape_cast %parallel_loop3A_632 : vector<1x1x16xf32> to vector<16xf32>
        %parallel_loop3A_634 = arith.constant 1 : i32
        %parallel_loop3A_635 = arith.index_cast %parallel_loop3A_634 : i32 to index
        %parallel_loop3A_636 = arith.index_cast %parallel_loop3A_588 : i32 to index
        %parallel_loop3A_637 = arith.constant 48 : index
        %parallel_loop3A_638 = tpu.vector_load %arg8[%parallel_loop3A_635, %parallel_loop3A_636, %parallel_loop3A_637] {strides = array<i32>} : memref<2x128x64xf32, #tpu.memory_space<vmem>>, vector<1x1x16xf32>,
        %parallel_loop3A_639 = vector.shape_cast %parallel_loop3A_638 : vector<1x1x16xf32> to vector<16xf32>
        %parallel_loop3A_640 = vector.shape_cast %parallel_loop3A_633 : vector<16xf32> to vector<1x1x16xf32>
        tpu.vector_store %arg8[%parallel_loop3A_635, %parallel_loop3A_636, %parallel_loop3A_637], %parallel_loop3A_640 {strides = array<i32>} : memref<2x128x64xf32, #tpu.memory_space<vmem>>, vector<1x1x16xf32>,
      } {sc.loop_unroll_factor = 4 : i64, sc.parallel_access}
      %mul3A_569 = arith.constant 128 : i32
      %mul3A_570 = arith.muli %add3A_330, %mul3A_569 : i32
      %add3A_571 = arith.addi %mul3A_2, %mul3A_570 : i32
      %dma_start3A_572 = arith.constant 1 : i32
      %dma_start3A_573 = arith.constant 1 : i32
      %dma_start3A_574 = arith.constant 0 : i32
      %dma_start3A_575 = arith.constant 0 : i32
      %dma_start3A_576 = tpu.memref_slice %arg8[%dma_start3A_572, %dma_start3A_574, %dma_start3A_575] : memref<2x128x64xf32, #tpu.memory_space<vmem>> -> memref<1x128x64xf32, #tpu.memory_space<vmem>>
      %dma_start3A_577 = tpu.memref_squeeze %dma_start3A_576 : memref<1x128x64xf32, #tpu.memory_space<vmem>> -> memref<128x64xf32, #tpu.memory_space<vmem>>
      %dma_start3A_578 = arith.constant 0 : i32
      %dma_start3A_579 = tpu.memref_slice %arg4[%add3A_571, %dma_start3A_578] : memref<4194304x64xf32, #tpu.memory_space<hbm>> -> memref<128x64xf32, #tpu.memory_space<hbm>>
      %dma_start3A_580 = tpu.memref_slice %arg12[%dma_start3A_573] : memref<2x!tpu.dma_semaphore, #tpu.memory_space<semaphore_mem>> -> memref<1x!tpu.dma_semaphore, #tpu.memory_space<semaphore_mem>>
      %dma_start3A_581 = tpu.memref_squeeze %dma_start3A_580 : memref<1x!tpu.dma_semaphore, #tpu.memory_space<semaphore_mem>> -> memref<!tpu.dma_semaphore, #tpu.memory_space<semaphore_mem>>
      %dma_start3A_582 = arith.constant 0 : i32
      %dma_start3A_583 = tpu.memref_slice %arg4[%add3A_571, %dma_start3A_582] : memref<4194304x64xf32, #tpu.memory_space<hbm>> -> memref<128x64xf32, #tpu.memory_space<hbm>>
      %dma_start3A_584 = arith.constant 0 : i32
      %dma_start3A_585 = arith.constant 0 : i32
      %dma_start3A_586 = tpu.memref_slice %arg8[%dma_start3A_572, %dma_start3A_584, %dma_start3A_585] : memref<2x128x64xf32, #tpu.memory_space<vmem>> -> memref<1x128x64xf32, #tpu.memory_space<vmem>>
      %dma_start3A_587 = tpu.memref_squeeze %dma_start3A_586 : memref<1x128x64xf32, #tpu.memory_space<vmem>> -> memref<128x64xf32, #tpu.memory_space<vmem>>
      tpu.enqueue_dma source(%dma_start3A_587 : memref<128x64xf32, #tpu.memory_space<vmem>>) target(%dma_start3A_583 : memref<128x64xf32, #tpu.memory_space<hbm>>) target_semaphore(%dma_start3A_581 : memref<!tpu.dma_semaphore, #tpu.memory_space<semaphore_mem>>)
    }
    %scan3A_36 = arith.constant 512 : i32
    %add3A_37 = arith.constant 130816 : i32
    %add3A_38 = arith.addi %mul3A_2, %add3A_37 : i32
    %dma_wait3A = arith.constant 0 : i32
    %dma_wait3A_39 = arith.constant 0 : i32
    %dma_wait3A_40 = arith.constant 0 : i32
    %dma_wait3A_41 = arith.constant 0 : i32
    %dma_wait3A_42 = tpu.memref_slice %arg8[%dma_wait3A, %dma_wait3A_40, %dma_wait3A_41] : memref<2x128x64xf32, #tpu.memory_space<vmem>> -> memref<1x128x64xf32, #tpu.memory_space<vmem>>
    %dma_wait3A_43 = tpu.memref_squeeze %dma_wait3A_42 : memref<1x128x64xf32, #tpu.memory_space<vmem>> -> memref<128x64xf32, #tpu.memory_space<vmem>>
    %dma_wait3A_44 = arith.constant 0 : i32
    %dma_wait3A_45 = tpu.memref_slice %arg4[%add3A_38, %dma_wait3A_44] : memref<4194304x64xf32, #tpu.memory_space<hbm>> -> memref<128x64xf32, #tpu.memory_space<hbm>>
    %dma_wait3A_46 = tpu.memref_slice %arg12[%dma_wait3A_39] : memref<2x!tpu.dma_semaphore, #tpu.memory_space<semaphore_mem>> -> memref<1x!tpu.dma_semaphore, #tpu.memory_space<semaphore_mem>>
    %dma_wait3A_47 = tpu.memref_squeeze %dma_wait3A_46 : memref<1x!tpu.dma_semaphore, #tpu.memory_space<semaphore_mem>> -> memref<!tpu.dma_semaphore, #tpu.memory_space<semaphore_mem>>
    %dma_wait3A_48 = arith.constant 0 : i32
    %dma_wait3A_49 = tpu.memref_slice %arg4[%add3A_38, %dma_wait3A_48] : memref<4194304x64xf32, #tpu.memory_space<hbm>> -> memref<128x64xf32, #tpu.memory_space<hbm>>
    %dma_wait3A_50 = arith.constant 0 : i32
    %dma_wait3A_51 = arith.constant 0 : i32
    %dma_wait3A_52 = tpu.memref_slice %arg8[%dma_wait3A, %dma_wait3A_50, %dma_wait3A_51] : memref<2x128x64xf32, #tpu.memory_space<vmem>> -> memref<1x128x64xf32, #tpu.memory_space<vmem>>
    %dma_wait3A_53 = tpu.memref_squeeze %dma_wait3A_52 : memref<1x128x64xf32, #tpu.memory_space<vmem>> -> memref<128x64xf32, #tpu.memory_space<vmem>>
    tpu.wait_dma2 semaphore(%dma_wait3A_47 : memref<!tpu.dma_semaphore, #tpu.memory_space<semaphore_mem>>) src(%dma_wait3A_53 : memref<128x64xf32, #tpu.memory_space<vmem>>) dst(%dma_wait3A_49 : memref<128x64xf32, #tpu.memory_space<hbm>>)
    %add3A_54 = arith.constant 130944 : i32
    %add3A_55 = arith.addi %mul3A_2, %add3A_54 : i32
    %dma_wait3A_56 = arith.constant 1 : i32
    %dma_wait3A_57 = arith.constant 1 : i32
    %dma_wait3A_58 = arith.constant 0 : i32
    %dma_wait3A_59 = arith.constant 0 : i32
    %dma_wait3A_60 = tpu.memref_slice %arg8[%dma_wait3A_56, %dma_wait3A_58, %dma_wait3A_59] : memref<2x128x64xf32, #tpu.memory_space<vmem>> -> memref<1x128x64xf32, #tpu.memory_space<vmem>>
    %dma_wait3A_61 = tpu.memref_squeeze %dma_wait3A_60 : memref<1x128x64xf32, #tpu.memory_space<vmem>> -> memref<128x64xf32, #tpu.memory_space<vmem>>
    %dma_wait3A_62 = arith.constant 0 : i32
    %dma_wait3A_63 = tpu.memref_slice %arg4[%add3A_55, %dma_wait3A_62] : memref<4194304x64xf32, #tpu.memory_space<hbm>> -> memref<128x64xf32, #tpu.memory_space<hbm>>
    %dma_wait3A_64 = tpu.memref_slice %arg12[%dma_wait3A_57] : memref<2x!tpu.dma_semaphore, #tpu.memory_space<semaphore_mem>> -> memref<1x!tpu.dma_semaphore, #tpu.memory_space<semaphore_mem>>
    %dma_wait3A_65 = tpu.memref_squeeze %dma_wait3A_64 : memref<1x!tpu.dma_semaphore, #tpu.memory_space<semaphore_mem>> -> memref<!tpu.dma_semaphore, #tpu.memory_space<semaphore_mem>>
    %dma_wait3A_66 = arith.constant 0 : i32
    %dma_wait3A_67 = tpu.memref_slice %arg4[%add3A_55, %dma_wait3A_66] : memref<4194304x64xf32, #tpu.memory_space<hbm>> -> memref<128x64xf32, #tpu.memory_space<hbm>>
    %dma_wait3A_68 = arith.constant 0 : i32
    %dma_wait3A_69 = arith.constant 0 : i32
    %dma_wait3A_70 = tpu.memref_slice %arg8[%dma_wait3A_56, %dma_wait3A_68, %dma_wait3A_69] : memref<2x128x64xf32, #tpu.memory_space<vmem>> -> memref<1x128x64xf32, #tpu.memory_space<vmem>>
    %dma_wait3A_71 = tpu.memref_squeeze %dma_wait3A_70 : memref<1x128x64xf32, #tpu.memory_space<vmem>> -> memref<128x64xf32, #tpu.memory_space<vmem>>
    tpu.wait_dma2 semaphore(%dma_wait3A_65 : memref<!tpu.dma_semaphore, #tpu.memory_space<semaphore_mem>>) src(%dma_wait3A_71 : memref<128x64xf32, #tpu.memory_space<vmem>>) dst(%dma_wait3A_67 : memref<128x64xf32, #tpu.memory_space<hbm>>)
    return
  }
}

</mosaic_0001>

<sc_bundles>
// kernel: kernel.3.cloned.1.call-start
scs
__scs_entry_jumppad:
0x0: {  	(pc) =	sbr.rel $0x88, $3  }
0x1: {  	(tag) =	ssettag $0x0;
	lr =	simm.s32 $0x1  }
0x2: {  	[smem:$0x3F9F] =	sst lr;
	_ =	strace $0xD0000000  }
0x3: {  	_ = 	snop  }
0x4: {  	_ = 	snop  }
0x5: {  	_ = 	snop  }
0x6: {  	_ = 	snop  }
0x7: {  	_ = 	snop  }
__scs_overlays_trampoline_lowered:
0x8: {  	[smem:$0x3FAE] =	sst s0  }
0x9: {  	[smem:$0x3FAF] =	sst s1  }
0xa: {  	[smem:$0x3FB0] =	sst s2  }
0xb: {  	[smem:$0x3FB1] =	sst s3  }
0xc: {  	[smem:$0x3FB2] =	sst s4  }
0xd: {  	[smem:$0x3FB3] =	sst s5  }
0xe: {  	[smem:$0x3FB4] =	sst s6  }
0xf: {  	[smem:$0x3FB5] =	sst s7  }
0x10: {  	[smem:$0x3FB6] =	sst s8  }
0x11: {  	[smem:$0x3FB7] =	sst s9;
	s0 =	simm.s32 @!p0 $0x0  }
0x12: {  	s1 =	sld [smem:$0x3F9D];
	s0 =	simm.s32 @p0 $0x1  }
0x13: {  	[smem:$0x3FB8] =	sst s0;
	s0 =	simm.s32 @!p1 $0x0  }
0x14: {  	s2 =	sld [smem:$0x3F9C];
	s0 =	simm.s32 @p1 $0x1  }
0x15: {  	[smem:$0x3FB9] =	sst s0;
	s0 =	simm.s32 @!p2 $0x0  }
0x16: {  	s3 =	sld [smem:$0x3FDB];
	s0 =	simm.s32 @p2 $0x1  }
0x17: {  	s4 =	simm.s32 $0x1BF5;
	[smem:$0x3FBB] =	sst s0  }
0x18: {  	s0 =	sld [smem:$0x3F9E];
	_ =	swait.ge [sflag:s4], $0x0  }
0x19: {  	s7 =	sld [smem:$0x3F9F]  }
0x1a: {  	s8 =	sadd.s32 $0xFFFFE003, lr  }
0x1b: {  	s9 =	sadd.s32 $0xFFFFFEF7, lr;
	s5 =	simm.s32 $0xFFFFFFFF;
	p2 =	slt.u32 s8, $0xFFFFF086  }
0x1c: {  	p1 =	slt.u32 s9, $0xF7A;
	s5 =	simm.s32 @!p2 $0x0  }
0x1d: {  	s5 =	simm.s32 @p1 $0x1;
	p0 =	seq.s32 s7, s2  }
0x1e: {  	s7 =	smul.u32 @!p0 $0xF7A, s2;
	p2 =	seq.s32 @!p0 s5, $0x0  }
0x1f: {  	s9 =	smul.u32 $0xF7A, s1;
	s8 =	simm.s32 @!p0 $0x1BF5;
	p2 =	por !p2, p0  }
0x20: {  	[sflag:s8] =	ssyncset.s32 @!p0 $0xFFFFF086;
	s6 =	sadd.s32 @!p0 s3, s7;
	s7 =	simm.s32 @!p0 $0x108  }
0x21: {  	s3 =	sadd.s32 s3, s9;
	s6 =	sadd.s32 @!p0 $0x88, s6;
	s7 =	simm.s32 @p2 $0x1082  }
0x22: {  	[simem:s7], [sflag:s8] =	dma.local @!p0 [hbm:s6], $0xF7A  }
0x23: {  	s9 =	sor.u32 $0xD0000000, s2;
	s6 =	simm.s32 $0x108;
	_ =	swait.ge @!p0 [sflag:s8], $0x0  }
0x24: {  	s3 =	sadd.s32 $0x88, s3;
	s6 =	simm.s32 @!p1 $0x1082;
	[sflag:s4] =	ssyncset.s32 $0xFFFFF086  }
0x25: {  	[simem:s6], [sflag:s4] =	dma.local [hbm:s3], $0xF7A  }
0x26: {  	[smem:$0x3F9F] =	sst s1;
	(tag) =	ssettag s2;
	_ =	strace s9  }
0x27: {  	s1 =	sld [smem:$0x3FAF]  }
0x28: {  	s2 =	sld [smem:$0x3FB0]  }
0x29: {  	s4 =	sld [smem:$0x3FB2]  }
0x2a: {  	p0 =	seq.s32 s5, $0x0;
	s5 =	sld [smem:$0x3FB3]  }
0x2b: {  	s6 =	sld [smem:$0x3FB4]  }
0x2c: {  	s7 =	sld [smem:$0x3FB5]  }
0x2d: {  	s3 =	simm.s32 $0x108;
	s8 =	sld [smem:$0x3FB6]  }
0x2e: {  	s3 =	simm.s32 @!p0 $0x1082;
	s9 =	sld [smem:$0x3FB7]  }
0x2f: {  	lr =	sadd.s32 s0, s3;
	s0 =	sld [smem:$0x3FAE]  }
0x30: {  	s3 =	sld [smem:$0x3FB1]  }
0x31: {  	[smem:$0x3FBA] =	sst s10  }
0x32: {  	s10 =	sld [smem:$0x3FB8];
	_ =	sdelay $0x3  }
0x33: {  	p0 =	seq.s32 s10, $0x1;
	s10 =	sld [smem:$0x3FBA];
	_ =	sdelay $0x3  }
0x34: {  	[smem:$0x3FBA] =	sst s10  }
0x35: {  	s10 =	sld [smem:$0x3FB9];
	_ =	sdelay $0x3  }
0x36: {  	p1 =	seq.s32 s10, $0x1;
	s10 =	sld [smem:$0x3FBA];
	_ =	sdelay $0x3  }
0x37: {  	[smem:$0x3FBA] =	sst s10  }
0x38: {  	s10 =	sld [smem:$0x3FBB]  }
0x39: {  	_ = 	snop;
	(pc) =	sbr.ind lr, $3  }
0x3a: {  	_ = 	snop  }
0x3b: {  	_ = 	snop  }
0x3c: {  	p2 =	seq.s32 s10, $0x1;
	s10 =	sld [smem:$0x3FBA]  }
0x3d: {  	_ =	shalt  }
0x3e: {  	_ =	shalt  }
0x3f: {  	_ =	shalt  }
0x40: {  	_ =	shalt  }
0x41: {  	_ =	shalt  }
0x42: {  	_ =	shalt  }
0x43: {  	_ =	shalt  }
0x44: {  	_ =	shalt  }
0x45: {  	_ =	shalt  }
0x46: {  	_ =	shalt  }
0x47: {  	_ =	shalt  }
0x48: {  	_ =	shalt  }
0x49: {  	_ =	shalt  }
0x4a: {  	_ =	shalt  }
0x4b: {  	_ =	shalt  }
0x4c: {  	_ =	shalt  }
0x4d: {  	_ =	shalt  }
0x4e: {  	_ =	shalt  }
0x4f: {  	_ =	shalt  }
0x50: {  	_ =	shalt  }
0x51: {  	_ =	shalt  }
0x52: {  	_ =	shalt  }
0x53: {  	_ =	shalt  }
0x54: {  	_ =	shalt  }
0x55: {  	_ =	shalt  }
0x56: {  	_ =	shalt  }
0x57: {  	_ =	shalt  }
0x58: {  	_ =	shalt  }
0x59: {  	_ =	shalt  }
0x5a: {  	_ =	shalt  }
0x5b: {  	_ =	shalt  }
0x5c: {  	_ =	shalt  }
0x5d: {  	_ =	shalt  }
0x5e: {  	_ =	shalt  }
0x5f: {  	_ =	shalt  }
0x60: {  	_ =	shalt  }
0x61: {  	_ =	shalt  }
0x62: {  	_ =	shalt  }
0x63: {  	_ =	shalt  }
0x64: {  	_ =	shalt  }
0x65: {  	_ =	shalt  }
0x66: {  	_ =	shalt  }
0x67: {  	_ =	shalt  }
0x68: {  	_ =	shalt  }
0x69: {  	_ =	shalt  }
0x6a: {  	_ =	shalt  }
0x6b: {  	_ =	shalt  }
0x6c: {  	_ =	shalt  }
0x6d: {  	_ =	shalt  }
0x6e: {  	_ =	shalt  }
0x6f: {  	_ =	shalt  }
0x70: {  	_ =	shalt  }
0x71: {  	_ =	shalt  }
0x72: {  	_ =	shalt  }
0x73: {  	_ =	shalt  }
0x74: {  	_ =	shalt  }
0x75: {  	_ =	shalt  }
0x76: {  	_ =	shalt  }
0x77: {  	_ =	shalt  }
0x78: {  	_ =	shalt  }
0x79: {  	_ =	shalt  }
0x7a: {  	_ =	shalt  }
0x7b: {  	_ =	shalt  }
0x7c: {  	_ =	shalt  }
0x7d: {  	_ =	shalt  }
0x7e: {  	_ =	shalt  }
0x7f: {  	_ =	shalt  }
0x80: {  	_ =	shalt  }
0x81: {  	_ =	shalt  }
0x82: {  	_ =	shalt  }
0x83: {  	_ =	shalt  }
0x84: {  	_ =	shalt  }
0x85: {  	_ =	shalt  }
0x86: {  	_ =	shalt  }
0x87: {  	_ =	shalt  }
.Lfunc_end0:
.L_simem_size_0:
called_computation.1_lowered:
.L_overlay_start_0:
0x88: {  	s2 =	sld [smem:$0x3FD9]  }
0x89: {  	s3 =	sld [smem:$0x3FFE];
	_ =	sdelay $0x1  }
0x8a: {  	s1 =	srdreg.scid  }
0x8b: {  	s0 =	sand.u32 $0x1, s1  }
0x8c: {  	s17 =	sshll.u32 s0, $0xA;
	s2 =	sadd.s32 s3, s2  }
0x8d: {  	s2 =	sadd.s32 s2, s17  }
0x8e: {  	[smem:$0x3FC6] =	sst s2  }
0x8f: {  	_ = 	snop  }
0x90: {  	s2 =	sld [smem:$0x3FD0];
	(tm) =	ssettm $0x1  }
0x91: {  	s18 =	sld [smem:$0x3FFB];
	_ =	sdelay $0x3  }
0x92: {  	_ =	strace s18  }
0x93: {  	s3 =	sld [smem:$0x3FFC];
	_ =	sdelay $0x3  }
0x94: {  	_ =	strace s3  }
0x95: {  	s3 =	sld [smem:$0x3FFD];
	_ =	sdelay $0x3  }
0x96: {  	_ =	strace s3  }
0x97: {  	_ =	strace $0x8FFFFFFF  }
0x98: {  	s19 =	sld [smem:$0x3FDB];
	_ =	sdelay $0x1  }
0x99: {  	s4 =	simm.s32 $_scs_section_size  }
0x9a: {  	s5 =	simm.s32 $_size__tile_overlayer_lowered;
	s6 =	simm.s32 $_tile_overlayer_lowered  }
0x9b: {  	s22 =	simm.s32 $0x1BFF;
	s21 =	sshll.u32 s6, $0x1;
	s3 =	sadd.s32 s4, s19  }
0x9c: {  	s7 =	simm.s32 $0x0;
	s20 =	sshll.u32 s5, $0x1;
	s5 =	sadd.s32 s21, s3  }
0x9d: {  	[timem:s7], [sflag:s22] =	dma.local [hbm:s5], s20  }
0x9e: {  	_ =	swait.ge [sflag:s22], s20  }
0x9f: {  	s4 =	ssub.s32 $0x0, s20;
	[sflag:s22] =	ssyncset.done $0x0  }
0xa0: {  	[sflag:s22] =	ssyncadd.s32 s4;
	_ =	sdelay $0x1  }
0xa1: {  	s23 =	simm.s32 $0x1B8B  }
0xa2: {  	_ =	swait.ge [sflag:s23], $0x1  }
0xa3: {  	[sflag:s23] =	ssyncset.done $0x0  }
0xa4: {  	s25 =	simm.s32 $0x1B8E;
	s24 =	sld [smem:$0x3FFE];
	[sflag:s23] =	ssyncadd.s32 $0xFFFFFFFF  }
0xa5: {  	s26 =	simm.s32 $execute0_lowered;
	[smem:$0x3FD2] =	sst s25  }
0xa6: {  	s5 =	sshll.u32 s26, $0x1;
	_ =	strace $0x80000046;
	[dreg:$0x1] =	wrdreg $0xFFFFFFFF  }
0xa7: {  	s28 =	simm.s32 $_size_execute0_lowered;
	s3 =	sadd.s32 s3, s5;
	[dreg:$0x0] =	wrdreg $0x0  }
0xa8: {  	s5 =	sshll.u32 s28, $0x1;
	[dreg:$0x2] =	wrdreg s3  }
0xa9: {  	[dreg:$0x3] =	wrdreg s5  }
0xaa: {  	[dreg:$0x4] =	wrdreg $0xC0  }
0xab: {  	_ =	task [dreg:s7], $0x5FFFF  }
0xac: {  	[dreg:$0x1] =	wrdreg $0xFFFFFFFF  }
0xad: {  	[dreg:$0x0] =	wrdreg $0x60  }
0xae: {  	[dreg:$0x2] =	wrdreg s2  }
0xaf: {  	[dreg:$0x3] =	wrdreg s24  }
0xb0: {  	[dreg:$0x4] =	wrdreg $0x102000  }
0xb1: {  	[dreg:$0x5] =	wrdreg $0x9  }
0xb2: {  	_ =	task.clear_ibuf [dreg:s7], $0x6FFFF;
	_ =	strace $0x90000046  }
0xb3: {  	s29 =	simm.s32 $0x9;
	_ =	strace $0x80000048  }
0xb4: {  	_ =	swait.ge [sflag:s29], $0x1  }
0xb5: {  	[sflag:s29] =	ssyncadd.s32 $0xFFFFFFFF  }
0xb6: {  	_ =	strace $0x90000048  }
0xb7: {  	_ =	sfence  }
0xb8: {  	s30 =	sld [smem:$0x0];
	_ =	sdelay $0x2  }
0xb9: {  	s31 =	sshll.u32 s1, $0xD;
	s1 =	sshrl.u32 s1, $0x2  }
0xba: {  	s3 =	sand.u32 $0x4000, s31;
	s1 =	sadd.s32 s1, s30  }
0xbb: {  	s0 =	sor.u32 s3, s0;
	s1 =	sshll.u32 s1, $0x11  }
0xbc: {  	s0 =	sor.u32 s1, s0  }
0xbd: {  	s0 =	sadd.s32 $0x8F2B, s0  }
0xbe: {  	[sflag:s0] =	ssyncadd.remote.s32 $0x1  }
0xbf: {  	_ =	sfence.sel $0xFFFF  }
0xc0: {  	[dreg:$0x0] =	wrdreg $0xFFFFFFFF;
	(pc) =	sbr.abs _section_cstart, $3  }
0xc1: {  	[dreg:$0x1] =	wrdreg $0xFFFFFFFF  }
0xc2: {  	_ =	task.clear_ibuf [dreg:s7], $0x2FFFF;
	_ =	strace $0x9FFFFFFF  }
0xc3: {  	(tm) =	ssettm $0x7FFFFFFF  }
tec
execute0_lowered:
.L_overlay_start_1:
0x0: {  	(tag) =	ssettag $0x1  }
0x1: {  	s1 =	rddreg [dreg:$0x0]  }
0x2: {  	s0 =	rddreg [dreg:$0x1]  }
0x3: {  	s2 =	rddreg [dreg:$0x2];
	s3 =	simm.s32 $0x0;
	s4 =	srdreg.scid  }
0x4: {  	s8 =	stileid.u32;
	s14 =	simm.s32 $0x80;
	s15 =	simm.s32 $0x1  }
0x5: {  	s16 =	simm.s32 $0x100;
	s17 =	simm.s32 $0x200;
	s18 =	simm.s32 $0x3  }
0x6: {  	s19 =	simm.s32 $0x8200;
	s20 =	simm.s32 $0x2;
	s21 =	simm.s32 $0x180  }
0x7: {  	s22 =	simm.s32 $0x4200;
	s23 =	simm.s32 $0x4;
	s24 =	simm.s32 $0xC200  }
0x8: {  	s25 =	simm.s32 $0x5;
	s26 =	simm.s32 $0x6;
	s28 =	simm.s32 $0x0  }
0x9: {  	[smem:$0x7FF] =	sst s3;
	s4 =	sand.u32 $0x1, s4;
	s5 =	sshll.u32 s8, $0x12  }
0xa: {  	s7 =	sadd.s32 $0x800, s0;
	p0 =	sne.s32 s8, $0x0;
	_ =	strace $0x80000047  }
0xb: {  	s6 =	sshll.u32 s4, $0x11;
	[dreg:$0x4] =	wrdreg s7;
	s4 =	ssub.s32 $0x2, s4  }
0xc: {  	s13 =	sshrl.u32 @!p0 s2, $0x3;
	s5 =	sor.u32 s6, s5;
	s29 =	sshrl.u32 s4, $0x1  }
0xd: {  	s6 =	sadd.s32 $0x10800, s0;
	s30 =	sshrl.u32 s5, $0x3;
	s0 =	ssub.s32 s4, s29  }
0xe: {  	s31 =	sshll.u32 s5, $0x4;
	s7 =	sadd.s32 s1, s30;
	s0 =	smax.u32 s0, $0x1  }
0xf: {  	s11 =	sor.u32 $0x180, s5;
	s9 =	sadd.s32 $0x10, s7;
	[dreg:$0x6] =	wrdreg s0  }
0x10: {  	s10 =	sadd.s32 s6, s31;
	[dreg:$0x5] =	wrdreg s9;
	s9 =	sor.u32 $0x100, s5  }
.LBB2_1:
0x11: {  	s0 =	simm.s32 @!p0 $0x1C07;
	s4 =	rddreg [dreg:$0x4]  }
0x12: {  	[spmem:s13], [sflag:s0] =	dma.local @!p0 [hbm:s4], $0x10000  }
0x13: {  	s0 =	simm.s32 @!p0 $0x7  }
0x14: {  	_ =	swait.ge @!p0 [sflag:s0], $0x10000  }
0x15: {  	[sflag:s0] =	ssyncset.done @!p0 $0x0  }
0x16: {  	[sflag:s0] =	ssyncadd.s32 @!p0 $0xFFFF0000  }
0x17: {  	[bflag:$0x0] =	sbarrier.arrive $0xFFFF  }
0x18: {  	[tilespmem:s3], [sflag:$0x1] =	stream.linear.gather [hbm4b:s7+s3], $0x80, $0x38;
	[tilespmem:$0x18200] =	vst v63  }
0x19: {  	s29 =	simm.s32 $0x0;
	s31 =	rddreg [dreg:$0x5]  }
0x1a: {  	[tilespmem:s14], [sflag:$0x2] =	stream.linear.gather [hbm4b:s31+s3], $0x80, $0x38;
	[tilespmem:$0x18200] =	vst v63  }
.LBB2_2:
0x1b: {  	_ =	swait.ge [sflag:s15], $0x80  }
0x1c: {  	[sflag:s15] =	ssyncset.done $0x0  }
0x1d: {  	[sflag:s15] =	ssyncadd.s32 $0xFFFFFF80  }
0x1e: {  	v0 =	vld [tilespmem:$0x0]  }
0x1f: {  	v1 =	vld [tilespmem:$0x10]  }
0x20: {  	v2 =	vld [tilespmem:$0x20]  }
0x21: {  	v3 =	vld [tilespmem:$0x30]  }
0x22: {  	v4 =	vld [tilespmem:$0x40]  }
0x23: {  	v5 =	vld [tilespmem:$0x50]  }
0x24: {  	v6 =	vld [tilespmem:$0x60]  }
0x25: {  	v7 =	vld [tilespmem:$0x70];
	_ =	sdelay $0x1  }
0x26: {  	vm0 =	vgt.s32 v0, $0xFFFFF800  }
0x27: {  	vm1 =	vgt.s32 v1, $0xFFFFF800;
	vm5 =	vgt.s32 v2, $0xFFFFF800;
	vm6 =	vgt.s32 v3, $0xFFFFF800  }
0x28: {  	vm8 =	vgt.s32 v4, $0xFFFFF800;
	vm9 =	vgt.s32 v5, $0xFFFFF800;
	vm12 =	vgt.s32 v6, $0xFFFFF800  }
0x29: {  	vm13 =	vgt.s32 v7, $0xFFFFF800;
	v0 =	vnsel vm0, $0xFFFFF800, v0;
	v1 =	vnsel vm1, $0xFFFFF800, v1  }
0x2a: {  	v2 =	vnsel vm5, $0xFFFFF800, v2;
	v3 =	vnsel vm6, $0xFFFFF800, v3;
	v4 =	vnsel vm8, $0xFFFFF800, v4  }
0x2b: {  	v5 =	vnsel vm9, $0xFFFFF800, v5;
	v57 =	vnsel vm12, $0xFFFFF800, v6;
	vm0 =	vlt.s32 v0, $0x7FF  }
0x2c: {  	v59 =	vnsel vm13, $0xFFFFF800, v7;
	vm1 =	vlt.s32 v1, $0x7FF;
	v0 =	vnsel vm0, $0x7FF, v0  }
0x2d: {  	vm7 =	vlt.s32 v2, $0x7FF;
	v1 =	vnsel vm1, $0x7FF, v1;
	v0 =	vadd.s32 $0x800, v0  }
0x2e: {  	vm10 =	vlt.s32 v4, $0x7FF;
	v2 =	vnsel vm7, $0x7FF, v2;
	v52 =	vadd.s32 $0x800, v1;
	[tilespmem:$0x100] =	vst v0  }
0x2f: {  	vm11 =	vlt.s32 v5, $0x7FF;
	v53 =	vnsel vm10, $0x7FF, v4;
	v54 =	vadd.s32 $0x800, v2;
	[tilespmem:$0x110] =	vst v52  }
0x30: {  	p1 =	sne.s32 s29, $0x0;
	vm14 =	vlt.s32 v57, $0x7FF;
	v55 =	vnsel vm11, $0x7FF, v5;
	v58 =	vadd.s32 $0x800, v53;
	[tilespmem:$0x120] =	vst v54  }
.Ltmp0:
0x31: {  	vm0 =	vlt.s32 v3, $0x7FF;
	v61 =	vnsel vm14, $0x7FF, v57;
	v60 =	vadd.s32 $0x800, v55;
	[tilespmem:$0x140] =	vst v58;
	(pc) =	sbr.rel @!p1 .LBB2_3-.Ltmp0, $4  }
0x32: {  	vm15 =	vlt.s32 v59, $0x7FF;
	v3 =	vnsel vm0, $0x7FF, v3;
	v63 =	vadd.s32 $0x800, v61;
	[tilespmem:$0x150] =	vst v60  }
0x33: {  	v62 =	vnsel vm15, $0x7FF, v59;
	v56 =	vadd.s32 $0x800, v3;
	[tilespmem:$0x160] =	vst v63  }
0x34: {  	v0 =	vadd.s32 $0x800, v62;
	[tilespmem:$0x130] =	vst v56  }
0x35: {  	s30 =	sshll.u32 s29, $0x8;
	[tilespmem:$0x170] =	vst v0  }
0x36: {  	p2 =	seq.s32 s29, $0x1FF  }
.Ltmp1:
0x37: {  	_ = 	snop;
	(pc) =	sbr.rel @p2 .LBB2_6-.Ltmp1, $4  }
.Ltmp2:
0x38: {  	_ =	swait.ge [sflag:s25], $0x4000;
	(pc) =	sbr.rel @!p2 .LBB2_5-.Ltmp2, $4  }
0x39: {  	[sflag:s25] =	ssyncset.done $0x0  }
0x3a: {  	p1 =	por $0x1, $0x1;
	[sflag:s25] =	ssyncadd.s32 $0xFFFFC000  }
0x3b: {  	[tilespmem:s17], [sflag:$0x3] =	stream.indirect.gather [spmem:s2], $0x80, s16, s14, $0xb8;
	[tilespmem:$0x18200] =	vst v63  }
0x3c: {  	_ = 	snop  }
.LBB2_3:
0x3d: {  	[tilespmem:s17], [sflag:$0x3] =	stream.indirect.gather [spmem:s2], $0x80, s16, s14, $0xb8;
	[tilespmem:$0x18200] =	vst v63  }
.LBB2_5:
0x3e: {  	s0 =	sadd.s32 s30, s9  }
0x3f: {  	s0 =	sshrl.u32 s0, $0x3  }
0x40: {  	p1 =	por $0x0, $0x0;
	s0 =	sadd.s32 s1, s0  }
0x41: {  	[tilespmem:s3], [sflag:$0x1] =	stream.linear.gather [hbm4b:s0+s3], $0x80, $0x38;
	[tilespmem:$0x18200] =	vst v63  }
.LBB2_6:
0x42: {  	_ =	swait.ge [sflag:s18], $0x4000  }
0x43: {  	[sflag:s18] =	ssyncset.done $0x0  }
0x44: {  	s8 =	simm.s32 $0x300;
	[sflag:s18] =	ssyncadd.s32 $0xFFFFC000  }
0x45: {  	v1 =	vld [tilespmem:s8+$0xFFFFFF80]  }
0x46: {  	v0 =	vld [tilespmem:s8+$0x80]  }
0x47: {  	v2 =	vld [tilespmem:s8+$0x0];
	_ =	sdelay $0x1  }
0x48: {  	s31 =	simm.s32 $0x8300  }
0x49: {  	v3 =	vld [tilespmem:s8+$0xFFFFFF00];
	[tilespmem:s31+$0xFFFFFF80] =	vst v1  }
0x4a: {  	[tilespmem:s31+$0x80] =	vst v0;
	v1 =	vld [tilespmem:s8+$0xFFFFFF90]  }
0x4b: {  	[tilespmem:s31+$0x0] =	vst v2;
	v0 =	vld [tilespmem:s8+$0x90]  }
0x4c: {  	v2 =	vld [tilespmem:s8+$0x10]  }
0x4d: {  	s0 =	simm.s32 $0x500  }
0x4e: {  	v4 =	vld [tilespmem:s0+$0x80];
	[tilespmem:s31+$0xFFFFFF00] =	vst v3  }
0x4f: {  	v3 =	vld [tilespmem:s8+$0xFFFFFF10];
	[tilespmem:s31+$0xFFFFFF90] =	vst v1  }
0x50: {  	[tilespmem:s31+$0x90] =	vst v0;
	v1 =	vld [tilespmem:s8+$0xFFFFFFA0]  }
0x51: {  	[tilespmem:s31+$0x10] =	vst v2;
	v0 =	vld [tilespmem:s8+$0xA0]  }
0x52: {  	s4 =	simm.s32 $0x8500;
	v2 =	vld [tilespmem:s8+$0x20]  }
0x53: {  	v5 =	vld [tilespmem:s0+$0xFFFFFF80];
	[tilespmem:s4+$0x80] =	vst v4  }
0x54: {  	v4 =	vld [tilespmem:s0+$0x90];
	[tilespmem:s31+$0xFFFFFF10] =	vst v3  }
0x55: {  	[tilespmem:s31+$0xFFFFFFA0] =	vst v1;
	v1 =	vld [tilespmem:s0+$0x0]  }
0x56: {  	v3 =	vld [tilespmem:s0+$0xFFFFFF00];
	[tilespmem:s31+$0xA0] =	vst v0  }
0x57: {  	[tilespmem:s31+$0x20] =	vst v2;
	v2 =	vld [tilespmem:s8+$0xFFFFFF20]  }
0x58: {  	[tilespmem:s4+$0xFFFFFF80] =	vst v5;
	v0 =	vld [tilespmem:s8+$0xB0]  }
0x59: {  	v5 =	vld [tilespmem:s0+$0xFFFFFF90];
	[tilespmem:s4+$0x90] =	vst v4  }
0x5a: {  	[tilespmem:s4+$0x0] =	vst v1;
	v1 =	vld [tilespmem:s8+$0xFFFFFFB0]  }
0x5b: {  	[tilespmem:s4+$0xFFFFFF00] =	vst v3;
	v6 =	vld [tilespmem:s0+$0x10]  }
0x5c: {  	v7 =	vld [tilespmem:s0+$0xFFFFFF10];
	[tilespmem:s31+$0xFFFFFF20] =	vst v2  }
0x5d: {  	[tilespmem:s31+$0xB0] =	vst v0;
	v0 =	vld [tilespmem:s8+$0xFFFFFF30]  }
0x5e: {  	[tilespmem:s4+$0xFFFFFF90] =	vst v5;
	v2 =	vld [tilespmem:s0+$0xA0]  }
0x5f: {  	v3 =	vld [tilespmem:s0+$0xFFFFFFA0];
	[tilespmem:s31+$0xFFFFFFB0] =	vst v1  }
0x60: {  	v1 =	vld [tilespmem:s8+$0x30];
	[tilespmem:s4+$0x10] =	vst v6  }
0x61: {  	s12 =	simm.s32 $0x700;
	[tilespmem:s4+$0xFFFFFF10] =	vst v7;
	s8 =	simm.s32 $0x4;
	v4 =	vld [tilespmem:s0+$0x20]  }
.LBB2_7:
0x62: {  	v5 =	vld [tilespmem:s12+$0x80];
	s8 =	sadd.s32 $0x4, s8;
	[tilespmem:s31+$0xFFFFFF30] =	vst v0  }
0x63: {  	v0 =	vld [tilespmem:s12+$0xFFFFFF80];
	p2 =	slt.u32 s8, $0x7C;
	[tilespmem:s4+$0xA0] =	vst v2  }
0x64: {  	[tilespmem:s4+$0xFFFFFFA0] =	vst v3;
	v2 =	vld [tilespmem:s0+$0xB0]  }
0x65: {  	v3 =	vld [tilespmem:s12+$0x0];
	[tilespmem:s31+$0x30] =	vst v1;
	s31 =	smov.u32 s4  }
0x66: {  	s4 =	sadd.s32 $0x200, s4;
	v1 =	vld [tilespmem:s12+$0xFFFFFF00];
	[tilespmem:s31+$0x20] =	vst v4  }
0x67: {  	[tilespmem:s4+$0x80] =	vst v5;
	v4 =	vld [tilespmem:s0+$0xFFFFFF20]  }
0x68: {  	[tilespmem:s4+$0xFFFFFF80] =	vst v0;
	v0 =	vld [tilespmem:s12+$0x90]  }
0x69: {  	v5 =	vld [tilespmem:s12+$0xFFFFFF90];
	[tilespmem:s31+$0xB0] =	vst v2  }
0x6a: {  	[tilespmem:s4+$0x0] =	vst v3;
	v6 =	vld [tilespmem:s0+$0xFFFFFFB0]  }
0x6b: {  	[tilespmem:s4+$0xFFFFFF00] =	vst v1;
	v1 =	vld [tilespmem:s12+$0x10]  }
0x6c: {  	v7 =	vld [tilespmem:s12+$0xFFFFFF10];
	[tilespmem:s31+$0xFFFFFF20] =	vst v4  }
.Ltmp3:
0x6d: {  	[tilespmem:s4+$0x90] =	vst v0;
	v0 =	vld [tilespmem:s0+$0xFFFFFF30];
	(pc) =	sbr.rel @p2 .LBB2_7-.Ltmp3, $4  }
0x6e: {  	[tilespmem:s4+$0xFFFFFF90] =	vst v5;
	v2 =	vld [tilespmem:s12+$0xA0]  }
0x6f: {  	v3 =	vld [tilespmem:s12+$0xFFFFFFA0];
	[tilespmem:s31+$0xFFFFFFB0] =	vst v6  }
0x70: {  	[tilespmem:s4+$0x10] =	vst v1;
	v1 =	vld [tilespmem:s0+$0x30];
	s0 =	smov.u32 s12  }
0x71: {  	s12 =	sadd.s32 $0x200, s12;
	[tilespmem:s4+$0xFFFFFF10] =	vst v7;
	v4 =	vld [tilespmem:s0+$0x20]  }
0x72: {  	v5 =	vld [tilespmem:s0+$0xFFFFFF20]  }
0x73: {  	[tilespmem:s31+$0xFFFFFF30] =	vst v0  }
0x74: {  	[tilespmem:s4+$0xA0] =	vst v2  }
0x75: {  	[tilespmem:s4+$0xFFFFFFA0] =	vst v3;
	v2 =	vld [tilespmem:s0+$0xB0]  }
0x76: {  	v3 =	vld [tilespmem:s0+$0xFFFFFFB0];
	[tilespmem:s4+$0x20] =	vst v4  }
0x77: {  	[tilespmem:s4+$0xFFFFFF20] =	vst v5;
	v0 =	vld [tilespmem:s0+$0x30]  }
0x78: {  	v4 =	vld [tilespmem:s0+$0xFFFFFF30]  }
0x79: {  	[tilespmem:s31+$0x30] =	vst v1  }
0x7a: {  	[tilespmem:s4+$0xB0] =	vst v2  }
0x7b: {  	[tilespmem:s4+$0xFFFFFFB0] =	vst v3  }
0x7c: {  	s12 =	sshll.u32 s29, $0xC;
	[tilespmem:s4+$0x30] =	vst v0  }
0x7d: {  	s0 =	sadd.s32 s12, s10;
	[tilespmem:s4+$0xFFFFFF30] =	vst v4  }
0x7e: {  	[hbm4b:s0+s3] =	stream.linear.scatter [tilespmem:s19], [sflag:$0x5], $0x4000, $0x38;
	[tilespmem:$0x18200] =	vst v63  }
0x7f: {  	_ =	swait.ge [sflag:s20], $0x80  }
0x80: {  	[sflag:s20] =	ssyncset.done $0x0  }
0x81: {  	[sflag:s20] =	ssyncadd.s32 $0xFFFFFF80  }
0x82: {  	v0 =	vld [tilespmem:$0x80]  }
0x83: {  	v1 =	vld [tilespmem:$0x90]  }
0x84: {  	v2 =	vld [tilespmem:$0xA0]  }
0x85: {  	v3 =	vld [tilespmem:$0xB0]  }
0x86: {  	v4 =	vld [tilespmem:$0xC0]  }
0x87: {  	v5 =	vld [tilespmem:$0xD0]  }
0x88: {  	v6 =	vld [tilespmem:$0xE0]  }
0x89: {  	v7 =	vld [tilespmem:$0xF0];
	_ =	sdelay $0x1  }
0x8a: {  	vm0 =	vgt.s32 v0, $0xFFFFF800  }
0x8b: {  	vm1 =	vgt.s32 v1, $0xFFFFF800;
	vm5 =	vgt.s32 v2, $0xFFFFF800;
	vm6 =	vgt.s32 v3, $0xFFFFF800  }
0x8c: {  	vm8 =	vgt.s32 v4, $0xFFFFF800;
	vm9 =	vgt.s32 v5, $0xFFFFF800;
	vm12 =	vgt.s32 v6, $0xFFFFF800  }
0x8d: {  	vm13 =	vgt.s32 v7, $0xFFFFF800;
	v0 =	vnsel vm0, $0xFFFFF800, v0;
	v1 =	vnsel vm1, $0xFFFFF800, v1  }
0x8e: {  	v2 =	vnsel vm5, $0xFFFFF800, v2;
	v3 =	vnsel vm6, $0xFFFFF800, v3;
	v4 =	vnsel vm8, $0xFFFFF800, v4  }
0x8f: {  	v5 =	vnsel vm9, $0xFFFFF800, v5;
	vm0 =	vlt.s32 v0, $0x7FF;
	vm1 =	vlt.s32 v1, $0x7FF  }
0x90: {  	vm7 =	vlt.s32 v2, $0x7FF;
	vm10 =	vlt.s32 v4, $0x7FF;
	v0 =	vnsel vm0, $0x7FF, v0  }
0x91: {  	vm11 =	vlt.s32 v5, $0x7FF;
	v1 =	vnsel vm1, $0x7FF, v1;
	v0 =	vadd.s32 $0x800, v0  }
0x92: {  	v2 =	vnsel vm7, $0x7FF, v2;
	vm0 =	vlt.s32 v3, $0x7FF;
	[tilespmem:$0x180] =	vst v0;
	v0 =	vadd.s32 $0x800, v1  }
0x93: {  	v3 =	vnsel vm0, $0x7FF, v3;
	v1 =	vnsel vm10, $0x7FF, v4;
	[tilespmem:$0x190] =	vst v0;
	v0 =	vadd.s32 $0x800, v2  }
0x94: {  	v2 =	vnsel vm11, $0x7FF, v5;
	[tilespmem:$0x1A0] =	vst v0;
	v0 =	vadd.s32 $0x800, v3;
	v3 =	vnsel vm12, $0xFFFFF800, v6  }
0x95: {  	[tilespmem:$0x1B0] =	vst v0;
	v0 =	vadd.s32 $0x800, v1;
	v1 =	vnsel vm13, $0xFFFFF800, v7;
	vm14 =	vlt.s32 v3, $0x7FF  }
0x96: {  	[tilespmem:$0x1C0] =	vst v0;
	v0 =	vadd.s32 $0x800, v2;
	v2 =	vnsel vm14, $0x7FF, v3;
	vm15 =	vlt.s32 v1, $0x7FF  }
0x97: {  	[tilespmem:$0x1D0] =	vst v0;
	v0 =	vadd.s32 $0x800, v2;
	v1 =	vnsel vm15, $0x7FF, v1  }
0x98: {  	p2 =	seq.s32 s29, $0x0;
	[tilespmem:$0x1E0] =	vst v0;
	v0 =	vadd.s32 $0x800, v1  }
0x99: {  	s0 =	simm.s32 @!p2 $0x6;
	[tilespmem:$0x1F0] =	vst v0  }
0x9a: {  	_ =	swait.ge @!p2 [sflag:s0], $0x4000  }
0x9b: {  	[sflag:s0] =	ssyncset.done @!p2 $0x0  }
0x9c: {  	[sflag:s0] =	ssyncadd.s32 @!p2 $0xFFFFC000;
	s0 =	sadd.s32 @!p1 s30, s11  }
0x9d: {  	[tilespmem:s22], [sflag:$0x4] =	stream.indirect.gather [spmem:s2], $0x80, s21, s14, $0xb8;
	[tilespmem:$0x18200] =	vst v63  }
0x9e: {  	s0 =	sshrl.u32 @!p1 s0, $0x3  }
0x9f: {  	s8 =	simm.s32 @!p1 $0x80;
	s4 =	simm.s32 @!p1 $0x0;
	s0 =	sadd.s32 @!p1 s1, s0  }
0xa0: {  	[tilespmem:s8], [sflag:$0x2] =	stream.linear.gather @!p1 [hbm4b:s0+s4], $0x80, $0x38;
	[tilespmem:$0x18200] =	vst v63  }
0xa1: {  	_ =	swait.ge [sflag:s23], $0x4000  }
0xa2: {  	[sflag:s23] =	ssyncset.done $0x0  }
0xa3: {  	s0 =	simm.s32 $0x0;
	[sflag:s23] =	ssyncadd.s32 $0xFFFFC000  }
0xa4: {  	v0 =	vld [tilespmem:s0+$0x43B0]  }
0xa5: {  	v1 =	vld [tilespmem:s0+$0x4200]  }
0xa6: {  	v2 =	vld [tilespmem:s0+$0x4210]  }
0xa7: {  	v3 =	vld [tilespmem:s0+$0x4220]  }
0xa8: {  	v4 =	vld [tilespmem:s0+$0x4230]  }
0xa9: {  	v5 =	vld [tilespmem:s0+$0x4280];
	[tilespmem:s0+$0xC3B0] =	vst v0  }
0xaa: {  	[tilespmem:s0+$0xC200] =	vst v1;
	v0 =	vld [tilespmem:s0+$0x4290]  }
0xab: {  	[tilespmem:s0+$0xC210] =	vst v2;
	v1 =	vld [tilespmem:s0+$0x42A0]  }
0xac: {  	[tilespmem:s0+$0xC220] =	vst v3;
	v3 =	vld [tilespmem:s0+$0x42B0]  }
0xad: {  	[tilespmem:s0+$0xC230] =	vst v4;
	v4 =	vld [tilespmem:s0+$0x4300]  }
0xae: {  	[tilespmem:s0+$0xC280] =	vst v5;
	v2 =	vld [tilespmem:s0+$0x4310]  }
0xaf: {  	[tilespmem:s0+$0xC290] =	vst v0;
	v0 =	vld [tilespmem:s0+$0x4320]  }
0xb0: {  	[tilespmem:s0+$0xC2A0] =	vst v1;
	v1 =	vld [tilespmem:s0+$0x4330]  }
0xb1: {  	s31 =	sadd.s32 s30, s5;
	[tilespmem:s0+$0xC2B0] =	vst v3;
	v3 =	vld [tilespmem:s0+$0x4380]  }
0xb2: {  	s12 =	simm.s32 $0x800;
	s4 =	sadd.s32 $0x80, s31;
	s8 =	simm.s32 $0x0;
	[tilespmem:s0+$0xC300] =	vst v4;
	v4 =	vld [tilespmem:s0+$0x4390]  }
.LBB2_9:
0xb3: {  	s30 =	sshra.s32 s12, $0x2;
	s8 =	sadd.s32 $0x4, s8;
	[tilespmem:s0+$0xC310] =	vst v2;
	v2 =	vld [tilespmem:s0+$0x43A0]  }
0xb4: {  	v5 =	vld [tilespmem:s30+$0x43B0];
	p1 =	slt.u32 s8, $0x7C;
	[tilespmem:s0+$0xC320] =	vst v0  }
0xb5: {  	v0 =	vld [tilespmem:s30+$0x4200];
	[tilespmem:s0+$0xC330] =	vst v1  }
0xb6: {  	v1 =	vld [tilespmem:s30+$0x4210];
	[tilespmem:s0+$0xC380] =	vst v3  }
0xb7: {  	v3 =	vld [tilespmem:s30+$0x4220];
	[tilespmem:s0+$0xC390] =	vst v4  }
0xb8: {  	v4 =	vld [tilespmem:s30+$0x4230];
	[tilespmem:s0+$0xC3A0] =	vst v2;
	s0 =	smov.u32 s30  }
0xb9: {  	v2 =	vld [tilespmem:s0+$0x4280];
	[tilespmem:s0+$0xC3B0] =	vst v5  }
0xba: {  	[tilespmem:s0+$0xC200] =	vst v0;
	v0 =	vld [tilespmem:s0+$0x4290]  }
0xbb: {  	[tilespmem:s0+$0xC210] =	vst v1;
	v1 =	vld [tilespmem:s0+$0x42A0]  }
0xbc: {  	[tilespmem:s0+$0xC220] =	vst v3;
	v3 =	vld [tilespmem:s0+$0x42B0]  }
0xbd: {  	[tilespmem:s0+$0xC230] =	vst v4;
	v4 =	vld [tilespmem:s0+$0x4300]  }
.Ltmp4:
0xbe: {  	[tilespmem:s0+$0xC280] =	vst v2;
	v2 =	vld [tilespmem:s0+$0x4310];
	(pc) =	sbr.rel @p1 .LBB2_9-.Ltmp4, $4  }
0xbf: {  	[tilespmem:s0+$0xC290] =	vst v0;
	v0 =	vld [tilespmem:s0+$0x4320]  }
0xc0: {  	[tilespmem:s0+$0xC2A0] =	vst v1;
	v1 =	vld [tilespmem:s0+$0x4330]  }
0xc1: {  	[tilespmem:s0+$0xC2B0] =	vst v3;
	v3 =	vld [tilespmem:s0+$0x4380]  }
0xc2: {  	s12 =	sadd.s32 $0x800, s12;
	[tilespmem:s0+$0xC300] =	vst v4;
	v4 =	vld [tilespmem:s0+$0x4390]  }
0xc3: {  	[tilespmem:s0+$0xC310] =	vst v2;
	v63 =	vld [tilespmem:s0+$0x43A0];
	s29 =	sadd.s32 $0x1, s29  }
0xc4: {  	[tilespmem:s0+$0xC320] =	vst v0;
	p1 =	sne.s32 s29, $0x200  }
.Ltmp5:
0xc5: {  	[tilespmem:s0+$0xC330] =	vst v1;
	(pc) =	sbr.rel @p1 .LBB2_2-.Ltmp5, $4  }
0xc6: {  	[tilespmem:s0+$0xC380] =	vst v3  }
0xc7: {  	s4 =	sshll.u32 s4, $0x4;
	[tilespmem:s0+$0xC390] =	vst v4  }
0xc8: {  	s31 =	sadd.s32 s6, s4;
	[tilespmem:s0+$0xC3A0] =	vst v63  }
0xc9: {  	[hbm4b:s31+s3] =	stream.linear.scatter [tilespmem:s24], [sflag:$0x6], $0x4000, $0x38;
	[tilespmem:$0x18200] =	vst v63  }
0xca: {  	_ =	swait.ge [sflag:s25], $0x4000  }
0xcb: {  	[sflag:s25] =	ssyncset.done $0x0  }
0xcc: {  	[sflag:s25] =	ssyncadd.s32 $0xFFFFC000  }
0xcd: {  	_ =	swait.ge [sflag:s26], $0x4000  }
0xce: {  	s28 =	sadd.s32 $0x1, s28;
	s0 =	rddreg [dreg:$0x6]  }
0xcf: {  	p1 =	sne.s32 s28, s0  }
.Ltmp6:
0xd0: {  	_ = 	snop;
	(pc) =	sbr.rel @p1 .LBB2_1-.Ltmp6, $3  }
0xd1: {  	_ =	sdelay $0x1  }
0xd2: {  	[sflag:s26] =	ssyncset.done $0x0  }
0xd3: {  	[sflag:s26] =	ssyncadd.s32 $0xFFFFC000  }
0xd4: {  	_ =	sfence.sel $0x180000  }
0xd5: {  	[bflag:$0x0] =	sbarrier.arrive $0xFFFF  }
0xd6: {  	_ =	strace $0x90000047  }
0xd7: {  	[bflag:$0x2] =	sbarrier.arrive $0xFFFF  }
0xd8: {  	s0 =	rddreg [dreg:$0x3]  }
0xd9: {  	s0 =	sadd.s32 @!p0 $0x100000, s0  }
0xda: {  	[sflag:s0] =	ssyncadd.tile.s32 @!p0 $0x1;
	_ =	shalt  }
.Lfunc_end2:
_tile_overlayer_lowered:
.L_overlay_start_2:
0xdb: {  	(tag) =	ssettag $0x2  }
0xdc: {  	s0 =	rddreg [dreg:$0x0];
	s2 =	stileid.u32  }
0xdd: {  	s1 =	rddreg [dreg:$0x1];
	p0 =	sne.s32 s2, $0x0  }
0xde: {  	s3 =	rddreg [dreg:$0x2];
	[bflag:$0x3] =	sbarrier.arrive $0xFFFF;
	s2 =	simm.s32 @!p0 $0x1C07  }
0xdf: {  	[timem:s3], [sflag:s2] =	dma.local @!p0 [hbm:s0], s1  }
0xe0: {  	s0 =	simm.s32 @!p0 $0x7  }
0xe1: {  	_ =	swait.ge @!p0 [sflag:s0], s1  }
0xe2: {  	s1 =	ssub.s32 @!p0 $0x0, s1;
	[sflag:s0] =	ssyncset.done @!p0 $0x0  }
0xe3: {  	[sflag:s0] =	ssyncadd.s32 @!p0 s1  }
0xe4: {  	[bflag:$0x3] =	sbarrier.arrive $0xFFFF  }
0xe5: {  	_ =	shalt  }

// kernel: sparse-core-data-format-call.cloned.1.call-start
scs
called_computation_lowered:
.L_overlay_start_0:
0x0: {  	s2 =	sld [smem:$0x3FD9]  }
0x1: {  	s3 =	sld [smem:$0x3FFE];
	_ =	sdelay $0x1  }
0x2: {  	s1 =	srdreg.scid  }
0x3: {  	s0 =	sand.u32 $0x1, s1  }
0x4: {  	s18 =	sshll.u32 s0, $0xA;
	s2 =	sadd.s32 s3, s2  }
0x5: {  	s2 =	sadd.s32 s2, s18  }
0x6: {  	[smem:$0x3FC6] =	sst s2  }
0x7: {  	_ = 	snop  }
0x8: {  	s2 =	sld [smem:$0x3FD0];
	(tm) =	ssettm $0x1  }
0x9: {  	s19 =	sld [smem:$0x3FFB];
	_ =	sdelay $0x3  }
0xa: {  	_ =	strace s19  }
0xb: {  	s3 =	sld [smem:$0x3FFC];
	_ =	sdelay $0x3  }
0xc: {  	_ =	strace s3  }
0xd: {  	s3 =	sld [smem:$0x3FFD];
	_ =	sdelay $0x3  }
0xe: {  	_ =	strace s3  }
0xf: {  	_ =	strace $0x8FFFFFFF  }
0x10: {  	s20 =	sld [smem:$0x3FDB];
	_ =	sdelay $0x1  }
0x11: {  	s4 =	simm.s32 $_scs_section_size  }
0x12: {  	s5 =	simm.s32 $_size__tile_overlayer_lowered;
	s6 =	simm.s32 $_tile_overlayer_lowered  }
0x13: {  	s23 =	simm.s32 $0x1BFF;
	s22 =	sshll.u32 s6, $0x1;
	s3 =	sadd.s32 s4, s20  }
0x14: {  	s7 =	simm.s32 $0x0;
	s21 =	sshll.u32 s5, $0x1;
	s5 =	sadd.s32 s22, s3  }
0x15: {  	[timem:s7], [sflag:s23] =	dma.local [hbm:s5], s21  }
0x16: {  	_ =	swait.ge [sflag:s23], s21  }
0x17: {  	s4 =	ssub.s32 $0x0, s21;
	[sflag:s23] =	ssyncset.done $0x0  }
0x18: {  	[sflag:s23] =	ssyncadd.s32 s4;
	_ =	sdelay $0x1  }
0x19: {  	s24 =	simm.s32 $0x1B8B  }
0x1a: {  	_ =	swait.ge [sflag:s24], $0x1  }
0x1b: {  	[sflag:s24] =	ssyncset.done $0x0  }
0x1c: {  	s26 =	simm.s32 $0x1B8E;
	s25 =	sld [smem:$0x3FFE];
	[sflag:s24] =	ssyncadd.s32 $0xFFFFFFFF  }
0x1d: {  	s27 =	simm.s32 $execute0_lowered;
	[smem:$0x3FD2] =	sst s26  }
0x1e: {  	s5 =	sshll.u32 s27, $0x1;
	_ =	strace $0x80000049;
	[dreg:$0x1] =	wrdreg $0xFFFFFFFF  }
0x1f: {  	s28 =	simm.s32 $_size_execute0_lowered;
	s3 =	sadd.s32 s3, s5;
	[dreg:$0x0] =	wrdreg $0x0  }
0x20: {  	s5 =	sshll.u32 s28, $0x1;
	[dreg:$0x2] =	wrdreg s3  }
0x21: {  	[dreg:$0x3] =	wrdreg s5  }
0x22: {  	[dreg:$0x4] =	wrdreg $0xC0  }
0x23: {  	_ =	task [dreg:s7], $0x5FFFF  }
0x24: {  	[dreg:$0x1] =	wrdreg $0xFFFFFFFF  }
0x25: {  	[dreg:$0x0] =	wrdreg $0x60  }
0x26: {  	[dreg:$0x2] =	wrdreg s25  }
0x27: {  	[dreg:$0x3] =	wrdreg s2  }
0x28: {  	[dreg:$0x4] =	wrdreg $0x9  }
0x29: {  	_ =	task.clear_ibuf [dreg:s7], $0x5FFFF;
	_ =	strace $0x90000049  }
0x2a: {  	s29 =	simm.s32 $0x9;
	_ =	strace $0x8000004B  }
0x2b: {  	_ =	swait.ge [sflag:s29], $0x1  }
0x2c: {  	[sflag:s29] =	ssyncadd.s32 $0xFFFFFFFF  }
0x2d: {  	_ =	strace $0x9000004B  }
0x2e: {  	_ =	sfence  }
0x2f: {  	s30 =	sld [smem:$0x0];
	_ =	sdelay $0x2  }
0x30: {  	s31 =	sshll.u32 s1, $0xD;
	s1 =	sshrl.u32 s1, $0x2  }
0x31: {  	s3 =	sand.u32 $0x4000, s31;
	s1 =	sadd.s32 s1, s30  }
0x32: {  	s0 =	sor.u32 s3, s0;
	s1 =	sshll.u32 s1, $0x11  }
0x33: {  	s0 =	sor.u32 s1, s0  }
0x34: {  	s0 =	sadd.s32 $0x8F2B, s0  }
0x35: {  	[sflag:s0] =	ssyncadd.remote.s32 $0x1  }
0x36: {  	_ =	sfence.sel $0xFFFF  }
0x37: {  	[dreg:$0x0] =	wrdreg $0xFFFFFFFF;
	(pc) =	sbr.abs _section_cstart, $3  }
0x38: {  	[dreg:$0x1] =	wrdreg $0xFFFFFFFF  }
0x39: {  	_ =	task.clear_ibuf [dreg:s7], $0x2FFFF;
	_ =	strace $0x9FFFFFFF  }
0x3a: {  	(tm) =	ssettm $0x7FFFFFFF  }
0x3b: {  	_ =	shalt  }
tec
execute0_lowered:
.L_overlay_start_1:
0x0: {  	(tag) =	ssettag $0x1  }
0x1: {  	s0 =	srdreg.scid  }
0x2: {  	s7 =	rddreg [dreg:$0x0];
	s1 =	sshll.u32 s0, $0x4  }
0x3: {  	s3 =	rddreg [dreg:$0x1];
	s0 =	stileid.u32;
	s1 =	sand.u32 $0x10, s1  }
0x4: {  	s6 =	simm.s32 $0x1;
	s31 =	simm.s32 $0x2;
	s1 =	sor.u32 s0, s1  }
0x5: {  	s13 =	simm.s32 $0x0;
	s9 =	simm.s32 $0x4000;
	s2 =	sshll.u32 s1, $0x1  }
0x6: {  	s14 =	simm.s32 $0x0;
	s10 =	simm.s32 $0x0;
	s4 =	ssub.s32 $0x800, s2  }
0x7: {  	s12 =	simm.s32 $0x0;
	s1 =	rddreg [dreg:$0x2];
	s5 =	sand.u32 $0x3E, s4  }
.Ltmp0:
0x8: {  	_ =	strace $0x8000004A;
	p0 =	sne.s32 s5, $0x0;
	(pc) =	sbr.rel .LBB1_1-.Ltmp0, $4  }
0x9: {  	s11 =	smov.u32 s2;
	s8 =	sshrl.u32 s4, $0x6;
	s6 =	simm.s32 @!p0 $0x0  }
0xa: {  	s4 =	sadd.s32 $0x10800, s7;
	s5 =	simm.s32 $0x1;
	s6 =	sadd.s32 s6, s8  }
0xb: {  	s7 =	sadd.s32 $0x18800, s7;
	[sflag:s5] =	ssyncpa.u1 $0x0;
	s6 =	sshll.u32 s6, $0x4  }
0xc: {  	p0 =	por $0x0, $0x0;
	[sflag:s31] =	ssyncpa.u1 $0x0;
	s8 =	sor.u32 $0x1, s6  }
.LBB1_7:
0xd: {  	s15 =	sadd.s32 $0x80, s10  }
0xe: {  	s13 =	sadd.s32 $0x40, s11;
	s17 =	smov.u32 s11;
	p2 =	sgt.s32 s15, $0x7FF  }
0xf: {  	s17 =	smov.u32 @p2 s13  }
0x10: {  	s15 =	simm.s32 @p2 $0x0;
	p2 =	sgt.s32 s17, $0x7FF  }
0x11: {  	s17 =	smov.u32 @p2 s2;
	p2 =	sne.s32 s12, s8  }
.Ltmp1:
0x12: {  	p1 =	slt.u32 s12, $0x2;
	(pc) =	sbr.rel @!p2 .LBB1_8-.Ltmp1, $4  }
0x13: {  	s16 =	simm.s32 @!p1 $0x2  }
0x14: {  	s14 =	smov.u32 s11;
	p0 =	por !p0, !p0;
	_ =	swait.ge @!p1 [sflag:s16], $0x4000  }
0x15: {  	s13 =	smov.u32 s10;
	[sflag:s16] =	ssyncset.done @!p1 $0x0;
	s10 =	smov.u32 s15  }
0x16: {  	s12 =	sadd.s32 $0x1, s12;
	[sflag:s16] =	ssyncadd.s32 @!p1 $0xFFFFC000;
	s11 =	smov.u32 s17  }
.LBB1_1:
0x17: {  	p1 =	sge.u32 s12, s6  }
0x18: {  	s15 =	sxor.u32 @!p1 $0xFFFFFFFF, s12;
	s16 =	sshll.u32 @!p1 s11, $0xF  }
0x19: {  	s17 =	sshll.u32 @!p1 s10, $0x4;
	s19 =	simm.s32 @!p1 $0x40;
	s20 =	simm.s32 @!p1 $0x80  }
0x1a: {  	s15 =	sshll.u32 @!p1 s15, $0xE;
	s17 =	sand.u32 @!p1 $0x7FF0, s17;
	s18 =	sadd.s32 @!p1 s4, s16  }
0x1b: {  	s16 =	sadd.s32 @!p1 s16, s7;
	s15 =	sand.u32 @!p1 $0x4000, s15;
	s18 =	sadd.s32 @!p1 s17, s18  }
0x1c: {  	[tilespmem:s15], [sflag:$0x1] =	stream.strided.gather @!p1 [hbm4b:s18+s19], $0x2000, s20, s19, $0x38;
	[tilespmem:$0x10100] =	vst v63  }
0x1d: {  	s31 =	sadd.s32 $0xFFFFFFFF, s12;
	s16 =	sadd.s32 @!p1 s17, s16;
	s15 =	sor.u32 @!p1 $0x2000, s15  }
0x1e: {  	[tilespmem:s15], [sflag:$0x1] =	stream.strided.gather @!p1 [hbm4b:s16+s19], $0x2000, s20, s19, $0x38;
	[tilespmem:$0x10100] =	vst v63  }
0x1f: {  	p1 =	sge.u32 s31, s6  }
.Ltmp2:
0x20: {  	_ = 	snop;
	(pc) =	sbr.rel @p1 .LBB1_7-.Ltmp2, $1  }
0x21: {  	_ =	sdelay $0x3  }
0x22: {  	s15 =	simm.s32 $0x1;
	s17 =	sand.u32 $0x1, s12  }
0x23: {  	_ =	swait.ge [sflag:s5], $0x4000;
	s15 =	simm.s32 @!p0 $0x0;
	s17 =	smul.u32 $0x10200, s17  }
0x24: {  	p2 =	por $0x1, $0x1;
	[sflag:s5] =	ssyncset.done $0x0;
	s16 =	smul.u32 $0x10200, s15  }
0x25: {  	s18 =	sshll.u32 s15, $0x10;
	[sflag:s5] =	ssyncadd.s32 $0xFFFFC000;
	s30 =	sshrl.u32 s17, $0x2  }
0x26: {  	s31 =	sshrl.u32 s18, $0x2;
	s18 =	simm.s32 $0x0;
	s16 =	sshrl.u32 s16, $0x2  }
0x27: {  	s15 =	sor.u32 $0x8000, s30;
	s17 =	sadd.s32 $0x20, s31;
	s16 =	sor.u32 $0x8000, s16  }
.LBB1_3:
0x28: {  	s19 =	sshll.u32 s18, $0xD  }
0x29: {  	s19 =	sand.u32 $0x3FFFE000, s19  }
0x2a: {  	s21 =	sadd.s32 s19, s17  }
0x2b: {  	s31 =	smul.u32 $0x8100, s18;
	v3 =	vld [tilespmem:s21+$0x10]  }
0x2c: {  	v1 =	vld [tilespmem:s21+$0xFFFFFFF0]  }
0x2d: {  	s18 =	sshra.s32 s31, $0x2;
	v0 =	vld [tilespmem:s21+$0x0]  }
0x2e: {  	s18 =	sadd.s32 s18, s16;
	v2 =	vld [tilespmem:s21+$0xFFFFFFE0]  }
0x2f: {  	s19 =	sadd.s32 $0x0, s18  }
0x30: {  	p1 =	por p2, p2;
	s20 =	simm.s32 $0x4;
	s21 =	sadd.s32 $0x40, s21;
	[tilespmem:s19+$0x1830 ss:$0x81] =	vst.msk $0xffff, v3  }
.LBB1_4:
0x31: {  	v3 =	vld [tilespmem:s21+$0x10];
	p2 =	sne.s32 s20, $0x1FC;
	[tilespmem:s19+$0x810 ss:$0x81] =	vst.msk $0xffff, v1;
	s22 =	smov.u32 s20;
	s20 =	sadd.s32 $0x4, s20  }
.Ltmp3:
0x32: {  	v1 =	vld [tilespmem:s21+$0xFFFFFFF0];
	[tilespmem:s19+$0x1020 ss:$0x81] =	vst.msk $0xffff, v0;
	(pc) =	sbr.rel @p2 .LBB1_4-.Ltmp3, $4  }
0x33: {  	v0 =	vld [tilespmem:s21+$0x0];
	[tilespmem:s19+$0x0 ss:$0x81] =	vst.msk $0xffff, v2  }
0x34: {  	s19 =	sshra.s32 s22, $0x2;
	v2 =	vld [tilespmem:s21+$0xFFFFFFE0]  }
0x35: {  	s19 =	sadd.s32 s19, s18  }
0x36: {  	s21 =	sadd.s32 $0x40, s21;
	[tilespmem:s19+$0x1830 ss:$0x81] =	vst.msk $0xffff, v3  }
.Ltmp4:
0x37: {  	(pc) =	sbr.rel @p1 .LBB1_3-.Ltmp4, $4  }
0x38: {  	_ = 	snop  }
0x39: {  	[tilespmem:s19+$0x810 ss:$0x81] =	vst.msk $0xffff, v1  }
0x3a: {  	[tilespmem:s19+$0x1020 ss:$0x81] =	vst.msk $0xffff, v0  }
0x3b: {  	s18 =	simm.s32 $0x1;
	p2 =	por $0x0, $0x0;
	[tilespmem:s19+$0x0 ss:$0x81] =	vst.msk $0xffff, v2  }
0x3c: {  	s16 =	sshll.u32 s13, $0x3;
	s17 =	sand.u32 $0x78, s13;
	s14 =	sshll.u32 s14, $0xE  }
.Ltmp5:
0x3d: {  	s30 =	sand.u32 $0x3F00, s13;
	s16 =	sand.u32 $0x400, s16;
	(pc) =	sbr.rel .LBB1_7-.Ltmp5, $4  }
0x3e: {  	s31 =	sand.u32 $0x7, s13;
	s14 =	sadd.s32 s3, s14;
	s16 =	sor.u32 s17, s16  }
0x3f: {  	s13 =	sshll.u32 s31, $0x12;
	s14 =	sadd.s32 s30, s14;
	s16 =	sshrl.u32 s16, $0x3  }
0x40: {  	s13 =	sor.u32 $0x400, s13;
	s14 =	sadd.s32 s16, s14  }
0x41: {  	[hbm4b:s14+s13] =	stream.strided.scatter [tilespmem:s15], [sflag:$0x2], $0x4000, s9, s13, $0x20;
	[tilespmem:$0x10100] =	vst v63  }
.LBB1_8:
0x42: {  	_ =	sfence.sel $0x180000  }
0x43: {  	s2 =	simm.s32 $0x1;
	[bflag:$0x0] =	sbarrier.arrive $0xFFFF  }
0x44: {  	s31 =	simm.s32 $0x2;
	[sflag:s2] =	ssyncpa.u1 $0x1  }
0x45: {  	[sflag:s31] =	ssyncpa.u1 $0x1  }
0x46: {  	p0 =	sne.s32 s0, $0x0;
	_ =	strace $0x9000004A  }
0x47: {  	s0 =	sadd.s32 @!p0 $0x100000, s1;
	[bflag:$0x2] =	sbarrier.arrive $0xFFFF  }
0x48: {  	[sflag:s0] =	ssyncadd.tile.s32 @!p0 $0x1;
	_ =	shalt  }
.Lfunc_end1:
_tile_overlayer_lowered:
.L_overlay_start_2:
0x49: {  	(tag) =	ssettag $0x2  }
0x4a: {  	s0 =	rddreg [dreg:$0x0];
	s2 =	stileid.u32  }
0x4b: {  	s1 =	rddreg [dreg:$0x1];
	p0 =	sne.s32 s2, $0x0  }
0x4c: {  	s3 =	rddreg [dreg:$0x2];
	[bflag:$0x3] =	sbarrier.arrive $0xFFFF;
	s2 =	simm.s32 @!p0 $0x1C01  }
0x4d: {  	[timem:s3], [sflag:s2] =	dma.local @!p0 [hbm:s0], s1  }
0x4e: {  	s0 =	simm.s32 @!p0 $0x1  }
0x4f: {  	_ =	swait.ge @!p0 [sflag:s0], s1  }
0x50: {  	s1 =	ssub.s32 @!p0 $0x0, s1;
	[sflag:s0] =	ssyncset.done @!p0 $0x0  }
0x51: {  	[sflag:s0] =	ssyncadd.s32 @!p0 s1  }
0x52: {  	[bflag:$0x3] =	sbarrier.arrive $0xFFFF  }
0x53: {  	_ =	shalt  }

</sc_bundles>
